<compile_context>
chip_gen: v7x
topology: tpu7x:2x2x1
jax: 0.10.2.dev20260603
libtpu: 0.0.44.dev20260713+nightly
codegen_flags: <defaults>
</compile_context>

<pallas_src>
import jax
import jax.numpy as jnp
from jax import lax
from jax.experimental import pallas as pl
from jax.experimental.pallas import tpu as pltpu
from jax.experimental.pallas import tpu_sc as plsc

B = 16384
D = 64
V = 65536
NC = 2
NS = 16
NW = NC * NS
CPT = B // NS
CHUNK = 128
FPT = D // NW


def _body(xt_hbm, ind_hbm, wt_hbm, map_hbm, out_hbm,
          idx_v, rows_v, rows_full, wrow_v, acc_v, rows_sh,
          sem_i, sem_m, sem_w, sem_x, sem_o):
    c = lax.axis_index("c")
    s = lax.axis_index("s")
    wid = c * NS + s

    d0 = wid * FPT
    cbase = pl.multiple_of(s * CPT, CPT)
    pltpu.async_copy(ind_hbm.at[pl.ds(cbase, CPT)], idx_v, sem_i).wait()
    mcps = [
        pltpu.async_copy(
            map_hbm.at[idx_v.at[pl.ds(j * CHUNK, CHUNK)]],
            rows_v.at[pl.ds(j * CHUNK, CHUNK)],
            sem_m,
        )
        for j in range(CPT // CHUNK)
    ]
    cp_w = pltpu.async_copy(wt_hbm.at[pl.ds(d0, 1)], wrow_v, sem_w)
    cp_x = pltpu.async_copy(xt_hbm.at[pl.ds(d0, 1)],
                            acc_v.at[pl.ds(0, 1)], sem_x)
    for cp in mcps:
        cp.wait()
    pltpu.sync_copy(rows_v, rows_sh.at[pl.ds(cbase, CPT)])
    plsc.subcore_barrier()
    pltpu.async_copy(rows_sh, rows_full, sem_i).wait()

    for f in range(FPT):
        d = wid * FPT + f
        cp_w.wait()
        cp_x.wait()

        def vec_body(i):
            sl = pl.ds(i * 16, 16)
            idx = rows_full[sl]
            g = plsc.load_gather(wrow_v.at[0], [idx])
            plsc.addupdate(acc_v.at[f, sl], g)
        plsc.parallel_loop(0, B // 16, 1, unroll=16)(vec_body)

        if f + 1 < FPT:
            cp_w = pltpu.async_copy(
                wt_hbm.at[pl.ds(d + 1, 1)], wrow_v, sem_w)
            cp_x = pltpu.async_copy(
                xt_hbm.at[pl.ds(d + 1, 1)], acc_v.at[pl.ds(f + 1, 1)], sem_x)
        pltpu.async_copy(
            acc_v.at[pl.ds(f, 1)], out_hbm.at[pl.ds(d, 1)], sem_o)
    pltpu.make_async_copy(acc_v.at[pl.ds(0, 1)],
                          out_hbm.at[pl.ds(0, 1)], sem_o).wait()
    pltpu.make_async_copy(acc_v.at[pl.ds(0, 1)],
                          out_hbm.at[pl.ds(0, 1)], sem_o).wait()


@jax.jit
def kernel(x, ind, weight, mapping):
    ind32 = ind.astype(jnp.int32)
    map32 = mapping.astype(jnp.int32)
    xt = x.T
    wt = weight.T
    mesh = plsc.VectorSubcoreMesh(core_axis_name="c", subcore_axis_name="s")
    run = pl.kernel(
        _body,
        out_type=jax.ShapeDtypeStruct((D, B), jnp.float32),
        mesh=mesh,
        compiler_params=pltpu.CompilerParams(needs_layout_passes=False),
        scratch_types=[
            pltpu.VMEM((CPT,), jnp.int32),
            pltpu.VMEM((CPT,), jnp.int32),
            pltpu.VMEM((B,), jnp.int32),
            pltpu.VMEM((1, V), jnp.float32),
            pltpu.VMEM((FPT, B), jnp.float32),
            pltpu.VMEM_SHARED((B,), jnp.int32),
            pltpu.SemaphoreType.DMA,
            pltpu.SemaphoreType.DMA,
            pltpu.SemaphoreType.DMA,
            pltpu.SemaphoreType.DMA,
            pltpu.SemaphoreType.DMA,
        ],
    )
    return run(xt, ind32, wt, map32).T

# --- scband reference (transcript-rebuilt; emitter-appended) ---
"""Pipeline reference for scband-aux-layer-4063039062922 (READ-ONLY COPY).

The authoritative reference and input builder live on the scoring server;
editing this copy changes nothing except your own understanding.
"""

import jax, jax.numpy as jnp
import numpy as np

B = 16384
INPUT_SIZE = 64
OUTPUT_SIZE = 65536
OUTPUT_SIZE_ORG = 1000000


def setup_inputs(seed: int = 0) -> dict:
    key = jax.random.key(seed)
    k1, k2, k3, k4 = jax.random.split(key, 4)
    x = jax.random.normal(k1, (B, INPUT_SIZE), dtype=jnp.float32)
    ind = jax.random.randint(k2, (B,), 0, OUTPUT_SIZE_ORG)
    mapping = jax.random.randint(k3, (OUTPUT_SIZE_ORG,), 0, OUTPUT_SIZE)
    # xavier_uniform for weight of shape (output_size, input_size): fan_in=input_size, fan_out=output_size
    bound = float(np.sqrt(6.0 / (OUTPUT_SIZE + INPUT_SIZE)))
    weight = jax.random.uniform(k4, (OUTPUT_SIZE, INPUT_SIZE), minval=-bound, maxval=bound, dtype=jnp.float32)
    return {"x": x, "ind": ind, "weight": weight, "mapping": mapping}


def reference(x, ind, weight, mapping):
    # encode: x + weight[mapping[ind]].squeeze()
    rows = jnp.take(mapping, ind, axis=0)          # [B]
    gathered = jnp.take(weight, rows, axis=0)       # [B, input_size]
    # .squeeze() is a no-op for B>1, input_size>1
    return x + gathered

if __name__ == "__main__":
    import jax
    _d = setup_inputs()
    print(jax.jit(kernel)(*tuple(_d.values())))

</pallas_src>

<mosaic_0001>
#map = affine_map<(d0, d1) -> (0, 0)>
#map1 = affine_map<(d0, d1) -> (0)>
module attributes {stable_mosaic.version = 14 : i64} {
  func.func @_body(%arg0: i32, %arg1: i32, %arg2: memref<64x16384xf32, #tpu.memory_space<hbm>>, %arg3: memref<16384xi32, #tpu.memory_space<hbm>>, %arg4: memref<64x65536xf32, #tpu.memory_space<hbm>>, %arg5: memref<1000000xi32, #tpu.memory_space<hbm>>, %arg6: memref<64x16384xf32, #tpu.memory_space<hbm>>, %arg7: memref<1024xi32, #tpu.memory_space<vmem>>, %arg8: memref<1024xi32, #tpu.memory_space<vmem>>, %arg9: memref<16384xi32, #tpu.memory_space<vmem>>, %arg10: memref<1x65536xf32, #tpu.memory_space<vmem>>, %arg11: memref<2x16384xf32, #tpu.memory_space<vmem>>, %arg12: memref<16384xi32, #tpu.memory_space<vmem_shared>>, %arg13: memref<!tpu.dma_semaphore, #tpu.memory_space<semaphore_mem>>, %arg14: memref<!tpu.dma_semaphore, #tpu.memory_space<semaphore_mem>>, %arg15: memref<!tpu.dma_semaphore, #tpu.memory_space<semaphore_mem>>, %arg16: memref<!tpu.dma_semaphore, #tpu.memory_space<semaphore_mem>>, %arg17: memref<!tpu.dma_semaphore, #tpu.memory_space<semaphore_mem>>) attributes {dimension_semantics = [#tpu.dimension_semantics<core_parallel>, #tpu.dimension_semantics<subcore_parallel>], iteration_bounds = array<i64: 2, 16>, scalar_prefetch = 0 : i64, scratch_operands = 11 : i64, tpu.core_type = #tpu.core_type<sc_vector_subcore>, window_params = [{transform_indices = #map}, {transform_indices = #map1}, {transform_indices = #map}, {transform_indices = #map1}, {transform_indices = #map}]} {
    %mul3A = arith.constant 16 : i32
    %mul3A_0 = arith.muli %arg0, %mul3A : i32
    %add3A = arith.addi %mul3A_0, %arg1 : i32
    %mul3A_1 = arith.constant 2 : i32
    %mul3A_2 = arith.muli %add3A, %mul3A_1 : i32
    %mul3A_3 = arith.constant 1024 : i32
    %mul3A_4 = arith.muli %arg1, %mul3A_3 : i32
    %multiple_of3A = tpu.assume_multiple %mul3A_4, 1024 : i32
    %dma_start3A = tpu.memref_slice %arg3[%multiple_of3A] : memref<16384xi32, #tpu.memory_space<hbm>> -> memref<1024xi32, #tpu.memory_space<hbm>>
    %dma_start3A_5 = tpu.memref_slice %arg3[%multiple_of3A] : memref<16384xi32, #tpu.memory_space<hbm>> -> memref<1024xi32, #tpu.memory_space<hbm>>
    tpu.enqueue_dma source(%dma_start3A_5 : memref<1024xi32, #tpu.memory_space<hbm>>) target(%arg7 : memref<1024xi32, #tpu.memory_space<vmem>>) target_semaphore(%arg13 : memref<!tpu.dma_semaphore, #tpu.memory_space<semaphore_mem>>)
    %dma_wait3A = tpu.memref_slice %arg3[%multiple_of3A] : memref<16384xi32, #tpu.memory_space<hbm>> -> memref<1024xi32, #tpu.memory_space<hbm>>
    %dma_wait3A_6 = tpu.memref_slice %arg3[%multiple_of3A] : memref<16384xi32, #tpu.memory_space<hbm>> -> memref<1024xi32, #tpu.memory_space<hbm>>
    tpu.wait_dma2 semaphore(%arg13 : memref<!tpu.dma_semaphore, #tpu.memory_space<semaphore_mem>>) src(%dma_wait3A_6 : memref<1024xi32, #tpu.memory_space<hbm>>) dst(%arg7 : memref<1024xi32, #tpu.memory_space<vmem>>)
    %dma_start3A_7 = arith.constant 0 : i32
    %dma_start3A_8 = tpu.memref_slice %arg8[%dma_start3A_7] : memref<1024xi32, #tpu.memory_space<vmem>> -> memref<128xi32, #tpu.memory_space<vmem>>
    %dma_start3A_9 = arith.constant 0 : i32
    %dma_start3A_10 = tpu.memref_slice %arg7[%dma_start3A_9] : memref<1024xi32, #tpu.memory_space<vmem>> -> memref<128xi32, #tpu.memory_space<vmem>>
    %dma_start3A_11 = arith.constant 0 : i32
    %dma_start3A_12 = tpu.memref_slice %arg5[%dma_start3A_11] : memref<1000000xi32, #tpu.memory_space<hbm>> -> memref<1000000xi32, #tpu.memory_space<hbm>>
    tpu.enqueue_indirect_dma source(%dma_start3A_12 : memref<1000000xi32, #tpu.memory_space<hbm>>) target(%dma_start3A_8 : memref<128xi32, #tpu.memory_space<vmem>>) offsets(%dma_start3A_10 : memref<128xi32, #tpu.memory_space<vmem>>) semaphore(%arg14 : memref<!tpu.dma_semaphore, #tpu.memory_space<semaphore_mem>>)
    %dma_start3A_13 = arith.constant 128 : i32
    %dma_start3A_14 = tpu.memref_slice %arg8[%dma_start3A_13] : memref<1024xi32, #tpu.memory_space<vmem>> -> memref<128xi32, #tpu.memory_space<vmem>>
    %dma_start3A_15 = arith.constant 128 : i32
    %dma_start3A_16 = tpu.memref_slice %arg7[%dma_start3A_15] : memref<1024xi32, #tpu.memory_space<vmem>> -> memref<128xi32, #tpu.memory_space<vmem>>
    %dma_start3A_17 = arith.constant 0 : i32
    %dma_start3A_18 = tpu.memref_slice %arg5[%dma_start3A_17] : memref<1000000xi32, #tpu.memory_space<hbm>> -> memref<1000000xi32, #tpu.memory_space<hbm>>
    tpu.enqueue_indirect_dma source(%dma_start3A_18 : memref<1000000xi32, #tpu.memory_space<hbm>>) target(%dma_start3A_14 : memref<128xi32, #tpu.memory_space<vmem>>) offsets(%dma_start3A_16 : memref<128xi32, #tpu.memory_space<vmem>>) semaphore(%arg14 : memref<!tpu.dma_semaphore, #tpu.memory_space<semaphore_mem>>)
    %dma_start3A_19 = arith.constant 256 : i32
    %dma_start3A_20 = tpu.memref_slice %arg8[%dma_start3A_19] : memref<1024xi32, #tpu.memory_space<vmem>> -> memref<128xi32, #tpu.memory_space<vmem>>
    %dma_start3A_21 = arith.constant 256 : i32
    %dma_start3A_22 = tpu.memref_slice %arg7[%dma_start3A_21] : memref<1024xi32, #tpu.memory_space<vmem>> -> memref<128xi32, #tpu.memory_space<vmem>>
    %dma_start3A_23 = arith.constant 0 : i32
    %dma_start3A_24 = tpu.memref_slice %arg5[%dma_start3A_23] : memref<1000000xi32, #tpu.memory_space<hbm>> -> memref<1000000xi32, #tpu.memory_space<hbm>>
    tpu.enqueue_indirect_dma source(%dma_start3A_24 : memref<1000000xi32, #tpu.memory_space<hbm>>) target(%dma_start3A_20 : memref<128xi32, #tpu.memory_space<vmem>>) offsets(%dma_start3A_22 : memref<128xi32, #tpu.memory_space<vmem>>) semaphore(%arg14 : memref<!tpu.dma_semaphore, #tpu.memory_space<semaphore_mem>>)
    %dma_start3A_25 = arith.constant 384 : i32
    %dma_start3A_26 = tpu.memref_slice %arg8[%dma_start3A_25] : memref<1024xi32, #tpu.memory_space<vmem>> -> memref<128xi32, #tpu.memory_space<vmem>>
    %dma_start3A_27 = arith.constant 384 : i32
    %dma_start3A_28 = tpu.memref_slice %arg7[%dma_start3A_27] : memref<1024xi32, #tpu.memory_space<vmem>> -> memref<128xi32, #tpu.memory_space<vmem>>
    %dma_start3A_29 = arith.constant 0 : i32
    %dma_start3A_30 = tpu.memref_slice %arg5[%dma_start3A_29] : memref<1000000xi32, #tpu.memory_space<hbm>> -> memref<1000000xi32, #tpu.memory_space<hbm>>
    tpu.enqueue_indirect_dma source(%dma_start3A_30 : memref<1000000xi32, #tpu.memory_space<hbm>>) target(%dma_start3A_26 : memref<128xi32, #tpu.memory_space<vmem>>) offsets(%dma_start3A_28 : memref<128xi32, #tpu.memory_space<vmem>>) semaphore(%arg14 : memref<!tpu.dma_semaphore, #tpu.memory_space<semaphore_mem>>)
    %dma_start3A_31 = arith.constant 512 : i32
    %dma_start3A_32 = tpu.memref_slice %arg8[%dma_start3A_31] : memref<1024xi32, #tpu.memory_space<vmem>> -> memref<128xi32, #tpu.memory_space<vmem>>
    %dma_start3A_33 = arith.constant 512 : i32
    %dma_start3A_34 = tpu.memref_slice %arg7[%dma_start3A_33] : memref<1024xi32, #tpu.memory_space<vmem>> -> memref<128xi32, #tpu.memory_space<vmem>>
    %dma_start3A_35 = arith.constant 0 : i32
    %dma_start3A_36 = tpu.memref_slice %arg5[%dma_start3A_35] : memref<1000000xi32, #tpu.memory_space<hbm>> -> memref<1000000xi32, #tpu.memory_space<hbm>>
    tpu.enqueue_indirect_dma source(%dma_start3A_36 : memref<1000000xi32, #tpu.memory_space<hbm>>) target(%dma_start3A_32 : memref<128xi32, #tpu.memory_space<vmem>>) offsets(%dma_start3A_34 : memref<128xi32, #tpu.memory_space<vmem>>) semaphore(%arg14 : memref<!tpu.dma_semaphore, #tpu.memory_space<semaphore_mem>>)
    %dma_start3A_37 = arith.constant 640 : i32
    %dma_start3A_38 = tpu.memref_slice %arg8[%dma_start3A_37] : memref<1024xi32, #tpu.memory_space<vmem>> -> memref<128xi32, #tpu.memory_space<vmem>>
    %dma_start3A_39 = arith.constant 640 : i32
    %dma_start3A_40 = tpu.memref_slice %arg7[%dma_start3A_39] : memref<1024xi32, #tpu.memory_space<vmem>> -> memref<128xi32, #tpu.memory_space<vmem>>
    %dma_start3A_41 = arith.constant 0 : i32
    %dma_start3A_42 = tpu.memref_slice %arg5[%dma_start3A_41] : memref<1000000xi32, #tpu.memory_space<hbm>> -> memref<1000000xi32, #tpu.memory_space<hbm>>
    tpu.enqueue_indirect_dma source(%dma_start3A_42 : memref<1000000xi32, #tpu.memory_space<hbm>>) target(%dma_start3A_38 : memref<128xi32, #tpu.memory_space<vmem>>) offsets(%dma_start3A_40 : memref<128xi32, #tpu.memory_space<vmem>>) semaphore(%arg14 : memref<!tpu.dma_semaphore, #tpu.memory_space<semaphore_mem>>)
    %dma_start3A_43 = arith.constant 768 : i32
    %dma_start3A_44 = tpu.memref_slice %arg8[%dma_start3A_43] : memref<1024xi32, #tpu.memory_space<vmem>> -> memref<128xi32, #tpu.memory_space<vmem>>
    %dma_start3A_45 = arith.constant 768 : i32
    %dma_start3A_46 = tpu.memref_slice %arg7[%dma_start3A_45] : memref<1024xi32, #tpu.memory_space<vmem>> -> memref<128xi32, #tpu.memory_space<vmem>>
    %dma_start3A_47 = arith.constant 0 : i32
    %dma_start3A_48 = tpu.memref_slice %arg5[%dma_start3A_47] : memref<1000000xi32, #tpu.memory_space<hbm>> -> memref<1000000xi32, #tpu.memory_space<hbm>>
    tpu.enqueue_indirect_dma source(%dma_start3A_48 : memref<1000000xi32, #tpu.memory_space<hbm>>) target(%dma_start3A_44 : memref<128xi32, #tpu.memory_space<vmem>>) offsets(%dma_start3A_46 : memref<128xi32, #tpu.memory_space<vmem>>) semaphore(%arg14 : memref<!tpu.dma_semaphore, #tpu.memory_space<semaphore_mem>>)
    %dma_start3A_49 = arith.constant 896 : i32
    %dma_start3A_50 = tpu.memref_slice %arg8[%dma_start3A_49] : memref<1024xi32, #tpu.memory_space<vmem>> -> memref<128xi32, #tpu.memory_space<vmem>>
    %dma_start3A_51 = arith.constant 896 : i32
    %dma_start3A_52 = tpu.memref_slice %arg7[%dma_start3A_51] : memref<1024xi32, #tpu.memory_space<vmem>> -> memref<128xi32, #tpu.memory_space<vmem>>
    %dma_start3A_53 = arith.constant 0 : i32
    %dma_start3A_54 = tpu.memref_slice %arg5[%dma_start3A_53] : memref<1000000xi32, #tpu.memory_space<hbm>> -> memref<1000000xi32, #tpu.memory_space<hbm>>
    tpu.enqueue_indirect_dma source(%dma_start3A_54 : memref<1000000xi32, #tpu.memory_space<hbm>>) target(%dma_start3A_50 : memref<128xi32, #tpu.memory_space<vmem>>) offsets(%dma_start3A_52 : memref<128xi32, #tpu.memory_space<vmem>>) semaphore(%arg14 : memref<!tpu.dma_semaphore, #tpu.memory_space<semaphore_mem>>)
    %dma_start3A_55 = arith.constant 0 : i32
    %dma_start3A_56 = tpu.memref_slice %arg4[%mul3A_2, %dma_start3A_55] : memref<64x65536xf32, #tpu.memory_space<hbm>> -> memref<1x65536xf32, #tpu.memory_space<hbm>>
    %dma_start3A_57 = arith.constant 0 : i32
    %dma_start3A_58 = tpu.memref_slice %arg4[%mul3A_2, %dma_start3A_57] : memref<64x65536xf32, #tpu.memory_space<hbm>> -> memref<1x65536xf32, #tpu.memory_space<hbm>>
    tpu.enqueue_dma source(%dma_start3A_58 : memref<1x65536xf32, #tpu.memory_space<hbm>>) target(%arg10 : memref<1x65536xf32, #tpu.memory_space<vmem>>) target_semaphore(%arg15 : memref<!tpu.dma_semaphore, #tpu.memory_space<semaphore_mem>>)
    %dma_start3A_59 = arith.constant 0 : i32
    %dma_start3A_60 = arith.constant 0 : i32
    %dma_start3A_61 = tpu.memref_slice %arg11[%dma_start3A_59, %dma_start3A_60] : memref<2x16384xf32, #tpu.memory_space<vmem>> -> memref<1x16384xf32, #tpu.memory_space<vmem>>
    %dma_start3A_62 = arith.constant 0 : i32
    %dma_start3A_63 = tpu.memref_slice %arg2[%mul3A_2, %dma_start3A_62] : memref<64x16384xf32, #tpu.memory_space<hbm>> -> memref<1x16384xf32, #tpu.memory_space<hbm>>
    %dma_start3A_64 = arith.constant 0 : i32
    %dma_start3A_65 = arith.constant 0 : i32
    %dma_start3A_66 = tpu.memref_slice %arg11[%dma_start3A_64, %dma_start3A_65] : memref<2x16384xf32, #tpu.memory_space<vmem>> -> memref<1x16384xf32, #tpu.memory_space<vmem>>
    %dma_start3A_67 = arith.constant 0 : i32
    %dma_start3A_68 = tpu.memref_slice %arg2[%mul3A_2, %dma_start3A_67] : memref<64x16384xf32, #tpu.memory_space<hbm>> -> memref<1x16384xf32, #tpu.memory_space<hbm>>
    tpu.enqueue_dma source(%dma_start3A_68 : memref<1x16384xf32, #tpu.memory_space<hbm>>) target(%dma_start3A_66 : memref<1x16384xf32, #tpu.memory_space<vmem>>) target_semaphore(%arg16 : memref<!tpu.dma_semaphore, #tpu.memory_space<semaphore_mem>>)
    %dma_wait3A_69 = arith.constant 0 : i32
    %dma_wait3A_70 = tpu.memref_slice %arg8[%dma_wait3A_69] : memref<1024xi32, #tpu.memory_space<vmem>> -> memref<128xi32, #tpu.memory_space<vmem>>
    %dma_wait3A_71 = arith.constant 0 : i32
    %dma_wait3A_72 = tpu.memref_slice %arg7[%dma_wait3A_71] : memref<1024xi32, #tpu.memory_space<vmem>> -> memref<128xi32, #tpu.memory_space<vmem>>
    %dma_wait3A_73 = arith.constant 0 : i32
    %dma_wait3A_74 = tpu.memref_slice %arg5[%dma_wait3A_73] : memref<1000000xi32, #tpu.memory_space<hbm>> -> memref<1000000xi32, #tpu.memory_space<hbm>>
    tpu.wait_indirect_dma semaphore(%arg14 : memref<!tpu.dma_semaphore, #tpu.memory_space<semaphore_mem>>) src(%dma_wait3A_74 : memref<1000000xi32, #tpu.memory_space<hbm>>) dst(%dma_wait3A_70 : memref<128xi32, #tpu.memory_space<vmem>>)
    %dma_wait3A_75 = arith.constant 128 : i32
    %dma_wait3A_76 = tpu.memref_slice %arg8[%dma_wait3A_75] : memref<1024xi32, #tpu.memory_space<vmem>> -> memref<128xi32, #tpu.memory_space<vmem>>
    %dma_wait3A_77 = arith.constant 128 : i32
    %dma_wait3A_78 = tpu.memref_slice %arg7[%dma_wait3A_77] : memref<1024xi32, #tpu.memory_space<vmem>> -> memref<128xi32, #tpu.memory_space<vmem>>
    %dma_wait3A_79 = arith.constant 0 : i32
    %dma_wait3A_80 = tpu.memref_slice %arg5[%dma_wait3A_79] : memref<1000000xi32, #tpu.memory_space<hbm>> -> memref<1000000xi32, #tpu.memory_space<hbm>>
    tpu.wait_indirect_dma semaphore(%arg14 : memref<!tpu.dma_semaphore, #tpu.memory_space<semaphore_mem>>) src(%dma_wait3A_80 : memref<1000000xi32, #tpu.memory_space<hbm>>) dst(%dma_wait3A_76 : memref<128xi32, #tpu.memory_space<vmem>>)
    %dma_wait3A_81 = arith.constant 256 : i32
    %dma_wait3A_82 = tpu.memref_slice %arg8[%dma_wait3A_81] : memref<1024xi32, #tpu.memory_space<vmem>> -> memref<128xi32, #tpu.memory_space<vmem>>
    %dma_wait3A_83 = arith.constant 256 : i32
    %dma_wait3A_84 = tpu.memref_slice %arg7[%dma_wait3A_83] : memref<1024xi32, #tpu.memory_space<vmem>> -> memref<128xi32, #tpu.memory_space<vmem>>
    %dma_wait3A_85 = arith.constant 0 : i32
    %dma_wait3A_86 = tpu.memref_slice %arg5[%dma_wait3A_85] : memref<1000000xi32, #tpu.memory_space<hbm>> -> memref<1000000xi32, #tpu.memory_space<hbm>>
    tpu.wait_indirect_dma semaphore(%arg14 : memref<!tpu.dma_semaphore, #tpu.memory_space<semaphore_mem>>) src(%dma_wait3A_86 : memref<1000000xi32, #tpu.memory_space<hbm>>) dst(%dma_wait3A_82 : memref<128xi32, #tpu.memory_space<vmem>>)
    %dma_wait3A_87 = arith.constant 384 : i32
    %dma_wait3A_88 = tpu.memref_slice %arg8[%dma_wait3A_87] : memref<1024xi32, #tpu.memory_space<vmem>> -> memref<128xi32, #tpu.memory_space<vmem>>
    %dma_wait3A_89 = arith.constant 384 : i32
    %dma_wait3A_90 = tpu.memref_slice %arg7[%dma_wait3A_89] : memref<1024xi32, #tpu.memory_space<vmem>> -> memref<128xi32, #tpu.memory_space<vmem>>
    %dma_wait3A_91 = arith.constant 0 : i32
    %dma_wait3A_92 = tpu.memref_slice %arg5[%dma_wait3A_91] : memref<1000000xi32, #tpu.memory_space<hbm>> -> memref<1000000xi32, #tpu.memory_space<hbm>>
    tpu.wait_indirect_dma semaphore(%arg14 : memref<!tpu.dma_semaphore, #tpu.memory_space<semaphore_mem>>) src(%dma_wait3A_92 : memref<1000000xi32, #tpu.memory_space<hbm>>) dst(%dma_wait3A_88 : memref<128xi32, #tpu.memory_space<vmem>>)
    %dma_wait3A_93 = arith.constant 512 : i32
    %dma_wait3A_94 = tpu.memref_slice %arg8[%dma_wait3A_93] : memref<1024xi32, #tpu.memory_space<vmem>> -> memref<128xi32, #tpu.memory_space<vmem>>
    %dma_wait3A_95 = arith.constant 512 : i32
    %dma_wait3A_96 = tpu.memref_slice %arg7[%dma_wait3A_95] : memref<1024xi32, #tpu.memory_space<vmem>> -> memref<128xi32, #tpu.memory_space<vmem>>
    %dma_wait3A_97 = arith.constant 0 : i32
    %dma_wait3A_98 = tpu.memref_slice %arg5[%dma_wait3A_97] : memref<1000000xi32, #tpu.memory_space<hbm>> -> memref<1000000xi32, #tpu.memory_space<hbm>>
    tpu.wait_indirect_dma semaphore(%arg14 : memref<!tpu.dma_semaphore, #tpu.memory_space<semaphore_mem>>) src(%dma_wait3A_98 : memref<1000000xi32, #tpu.memory_space<hbm>>) dst(%dma_wait3A_94 : memref<128xi32, #tpu.memory_space<vmem>>)
    %dma_wait3A_99 = arith.constant 640 : i32
    %dma_wait3A_100 = tpu.memref_slice %arg8[%dma_wait3A_99] : memref<1024xi32, #tpu.memory_space<vmem>> -> memref<128xi32, #tpu.memory_space<vmem>>
    %dma_wait3A_101 = arith.constant 640 : i32
    %dma_wait3A_102 = tpu.memref_slice %arg7[%dma_wait3A_101] : memref<1024xi32, #tpu.memory_space<vmem>> -> memref<128xi32, #tpu.memory_space<vmem>>
    %dma_wait3A_103 = arith.constant 0 : i32
    %dma_wait3A_104 = tpu.memref_slice %arg5[%dma_wait3A_103] : memref<1000000xi32, #tpu.memory_space<hbm>> -> memref<1000000xi32, #tpu.memory_space<hbm>>
    tpu.wait_indirect_dma semaphore(%arg14 : memref<!tpu.dma_semaphore, #tpu.memory_space<semaphore_mem>>) src(%dma_wait3A_104 : memref<1000000xi32, #tpu.memory_space<hbm>>) dst(%dma_wait3A_100 : memref<128xi32, #tpu.memory_space<vmem>>)
    %dma_wait3A_105 = arith.constant 768 : i32
    %dma_wait3A_106 = tpu.memref_slice %arg8[%dma_wait3A_105] : memref<1024xi32, #tpu.memory_space<vmem>> -> memref<128xi32, #tpu.memory_space<vmem>>
    %dma_wait3A_107 = arith.constant 768 : i32
    %dma_wait3A_108 = tpu.memref_slice %arg7[%dma_wait3A_107] : memref<1024xi32, #tpu.memory_space<vmem>> -> memref<128xi32, #tpu.memory_space<vmem>>
    %dma_wait3A_109 = arith.constant 0 : i32
    %dma_wait3A_110 = tpu.memref_slice %arg5[%dma_wait3A_109] : memref<1000000xi32, #tpu.memory_space<hbm>> -> memref<1000000xi32, #tpu.memory_space<hbm>>
    tpu.wait_indirect_dma semaphore(%arg14 : memref<!tpu.dma_semaphore, #tpu.memory_space<semaphore_mem>>) src(%dma_wait3A_110 : memref<1000000xi32, #tpu.memory_space<hbm>>) dst(%dma_wait3A_106 : memref<128xi32, #tpu.memory_space<vmem>>)
    %dma_wait3A_111 = arith.constant 896 : i32
    %dma_wait3A_112 = tpu.memref_slice %arg8[%dma_wait3A_111] : memref<1024xi32, #tpu.memory_space<vmem>> -> memref<128xi32, #tpu.memory_space<vmem>>
    %dma_wait3A_113 = arith.constant 896 : i32
    %dma_wait3A_114 = tpu.memref_slice %arg7[%dma_wait3A_113] : memref<1024xi32, #tpu.memory_space<vmem>> -> memref<128xi32, #tpu.memory_space<vmem>>
    %dma_wait3A_115 = arith.constant 0 : i32
    %dma_wait3A_116 = tpu.memref_slice %arg5[%dma_wait3A_115] : memref<1000000xi32, #tpu.memory_space<hbm>> -> memref<1000000xi32, #tpu.memory_space<hbm>>
    tpu.wait_indirect_dma semaphore(%arg14 : memref<!tpu.dma_semaphore, #tpu.memory_space<semaphore_mem>>) src(%dma_wait3A_116 : memref<1000000xi32, #tpu.memory_space<hbm>>) dst(%dma_wait3A_112 : memref<128xi32, #tpu.memory_space<vmem>>)
    "tpu.region"() ({
      %run_scoped3A = tpu.sem_alloc : memref<!tpu.dma_semaphore, #tpu.memory_space<semaphore_mem>>
      %dma_start3A_220 = tpu.memref_slice %arg12[%multiple_of3A] : memref<16384xi32, #tpu.memory_space<vmem_shared>> -> memref<1024xi32, #tpu.memory_space<vmem_shared>>
      %dma_start3A_221 = tpu.memref_slice %arg12[%multiple_of3A] : memref<16384xi32, #tpu.memory_space<vmem_shared>> -> memref<1024xi32, #tpu.memory_space<vmem_shared>>
      tpu.enqueue_dma source(%arg8 : memref<1024xi32, #tpu.memory_space<vmem>>) target(%dma_start3A_221 : memref<1024xi32, #tpu.memory_space<vmem_shared>>) target_semaphore(%run_scoped3A : memref<!tpu.dma_semaphore, #tpu.memory_space<semaphore_mem>>)
      %dma_wait3A_222 = tpu.memref_slice %arg12[%multiple_of3A] : memref<16384xi32, #tpu.memory_space<vmem_shared>> -> memref<1024xi32, #tpu.memory_space<vmem_shared>>
      %dma_wait3A_223 = tpu.memref_slice %arg12[%multiple_of3A] : memref<16384xi32, #tpu.memory_space<vmem_shared>> -> memref<1024xi32, #tpu.memory_space<vmem_shared>>
      tpu.wait_dma2 semaphore(%run_scoped3A : memref<!tpu.dma_semaphore, #tpu.memory_space<semaphore_mem>>) src(%arg8 : memref<1024xi32, #tpu.memory_space<vmem>>) dst(%dma_wait3A_223 : memref<1024xi32, #tpu.memory_space<vmem_shared>>)
      tpu.yield
    }) : () -> ()
    %barrier3A = arith.constant 0 : index
    tpu.barrier barrier_id(%barrier3A)
    tpu.enqueue_dma source(%arg12 : memref<16384xi32, #tpu.memory_space<vmem_shared>>) target(%arg9 : memref<16384xi32, #tpu.memory_space<vmem>>) target_semaphore(%arg13 : memref<!tpu.dma_semaphore, #tpu.memory_space<semaphore_mem>>)
    tpu.wait_dma2 semaphore(%arg13 : memref<!tpu.dma_semaphore, #tpu.memory_space<semaphore_mem>>) src(%arg12 : memref<16384xi32, #tpu.memory_space<vmem_shared>>) dst(%arg9 : memref<16384xi32, #tpu.memory_space<vmem>>)
    %mul3A_117 = arith.constant 2 : i32
    %mul3A_118 = arith.muli %add3A, %mul3A_117 : i32
    %add3A_119 = arith.constant 0 : i32
    %add3A_120 = arith.addi %mul3A_118, %add3A_119 : i32
    %dma_wait3A_121 = arith.constant 0 : i32
    %dma_wait3A_122 = tpu.memref_slice %arg4[%mul3A_2, %dma_wait3A_121] : memref<64x65536xf32, #tpu.memory_space<hbm>> -> memref<1x65536xf32, #tpu.memory_space<hbm>>
    %dma_wait3A_123 = arith.constant 0 : i32
    %dma_wait3A_124 = tpu.memref_slice %arg4[%mul3A_2, %dma_wait3A_123] : memref<64x65536xf32, #tpu.memory_space<hbm>> -> memref<1x65536xf32, #tpu.memory_space<hbm>>
    tpu.wait_dma2 semaphore(%arg15 : memref<!tpu.dma_semaphore, #tpu.memory_space<semaphore_mem>>) src(%dma_wait3A_124 : memref<1x65536xf32, #tpu.memory_space<hbm>>) dst(%arg10 : memref<1x65536xf32, #tpu.memory_space<vmem>>)
    %dma_wait3A_125 = arith.constant 0 : i32
    %dma_wait3A_126 = arith.constant 0 : i32
    %dma_wait3A_127 = tpu.memref_slice %arg11[%dma_wait3A_125, %dma_wait3A_126] : memref<2x16384xf32, #tpu.memory_space<vmem>> -> memref<1x16384xf32, #tpu.memory_space<vmem>>
    %dma_wait3A_128 = arith.constant 0 : i32
    %dma_wait3A_129 = tpu.memref_slice %arg2[%mul3A_2, %dma_wait3A_128] : memref<64x16384xf32, #tpu.memory_space<hbm>> -> memref<1x16384xf32, #tpu.memory_space<hbm>>
    %dma_wait3A_130 = arith.constant 0 : i32
    %dma_wait3A_131 = arith.constant 0 : i32
    %dma_wait3A_132 = tpu.memref_slice %arg11[%dma_wait3A_130, %dma_wait3A_131] : memref<2x16384xf32, #tpu.memory_space<vmem>> -> memref<1x16384xf32, #tpu.memory_space<vmem>>
    %dma_wait3A_133 = arith.constant 0 : i32
    %dma_wait3A_134 = tpu.memref_slice %arg2[%mul3A_2, %dma_wait3A_133] : memref<64x16384xf32, #tpu.memory_space<hbm>> -> memref<1x16384xf32, #tpu.memory_space<hbm>>
    tpu.wait_dma2 semaphore(%arg16 : memref<!tpu.dma_semaphore, #tpu.memory_space<semaphore_mem>>) src(%dma_wait3A_134 : memref<1x16384xf32, #tpu.memory_space<hbm>>) dst(%dma_wait3A_132 : memref<1x16384xf32, #tpu.memory_space<vmem>>)
    %parallel_loop3A = arith.constant 0 : i32
    %parallel_loop3A_135 = arith.constant 1024 : i32
    %parallel_loop3A_136 = arith.constant 1 : i32
    scf.for %parallel_loop3A_220 = %parallel_loop3A to %parallel_loop3A_135 step %parallel_loop3A_136  : i32 {
      %parallel_loop3A_221 = arith.constant 16 : i32
      %parallel_loop3A_222 = arith.muli %parallel_loop3A_220, %parallel_loop3A_221 : i32
      %parallel_loop3A_223 = arith.index_cast %parallel_loop3A_222 : i32 to index
      %parallel_loop3A_224 = tpu.vector_load %arg9[%parallel_loop3A_223] {strides = array<i32>} : memref<16384xi32, #tpu.memory_space<vmem>>, vector<16xi32>,
      %parallel_loop3A_225 = arith.constant 0 : i32
      %parallel_loop3A_226 = arith.constant 0 : i32
      %parallel_loop3A_227 = tpu.memref_slice %arg10[%parallel_loop3A_225, %parallel_loop3A_226] : memref<1x65536xf32, #tpu.memory_space<vmem>> -> memref<1x65536xf32, #tpu.memory_space<vmem>>
      %parallel_loop3A_228 = tpu.memref_squeeze %parallel_loop3A_227 : memref<1x65536xf32, #tpu.memory_space<vmem>> -> memref<65536xf32, #tpu.memory_space<vmem>>
      %parallel_loop3A_229 = tpu.vector_load_idx %parallel_loop3A_228[%parallel_loop3A_224] : memref<65536xf32, #tpu.memory_space<vmem>>[vector<16xi32>], vector<16xf32>,
      %parallel_loop3A_230 = arith.constant 0 : i32
      %parallel_loop3A_231 = arith.index_cast %parallel_loop3A_230 : i32 to index
      %parallel_loop3A_232 = arith.index_cast %parallel_loop3A_222 : i32 to index
      %parallel_loop3A_233 = tpu.vector_load %arg11[%parallel_loop3A_231, %parallel_loop3A_232] {strides = array<i32>} : memref<2x16384xf32, #tpu.memory_space<vmem>>, vector<16xf32>,
      tpu.vector_store %arg11[%parallel_loop3A_231, %parallel_loop3A_232], %parallel_loop3A_229 {add = true, strides = array<i32>} : memref<2x16384xf32, #tpu.memory_space<vmem>>, vector<16xf32>,
    } {sc.loop_unroll_factor = 16 : i64, sc.parallel_access}
    %add3A_137 = arith.constant 1 : i32
    %add3A_138 = arith.addi %add3A_120, %add3A_137 : i32
    %dma_start3A_139 = arith.constant 0 : i32
    %dma_start3A_140 = tpu.memref_slice %arg4[%add3A_138, %dma_start3A_139] : memref<64x65536xf32, #tpu.memory_space<hbm>> -> memref<1x65536xf32, #tpu.memory_space<hbm>>
    %dma_start3A_141 = arith.constant 0 : i32
    %dma_start3A_142 = tpu.memref_slice %arg4[%add3A_138, %dma_start3A_141] : memref<64x65536xf32, #tpu.memory_space<hbm>> -> memref<1x65536xf32, #tpu.memory_space<hbm>>
    tpu.enqueue_dma source(%dma_start3A_142 : memref<1x65536xf32, #tpu.memory_space<hbm>>) target(%arg10 : memref<1x65536xf32, #tpu.memory_space<vmem>>) target_semaphore(%arg15 : memref<!tpu.dma_semaphore, #tpu.memory_space<semaphore_mem>>)
    %add3A_143 = arith.constant 1 : i32
    %add3A_144 = arith.addi %add3A_120, %add3A_143 : i32
    %dma_start3A_145 = arith.constant 1 : i32
    %dma_start3A_146 = arith.constant 0 : i32
    %dma_start3A_147 = tpu.memref_slice %arg11[%dma_start3A_145, %dma_start3A_146] : memref<2x16384xf32, #tpu.memory_space<vmem>> -> memref<1x16384xf32, #tpu.memory_space<vmem>>
    %dma_start3A_148 = arith.constant 0 : i32
    %dma_start3A_149 = tpu.memref_slice %arg2[%add3A_144, %dma_start3A_148] : memref<64x16384xf32, #tpu.memory_space<hbm>> -> memref<1x16384xf32, #tpu.memory_space<hbm>>
    %dma_start3A_150 = arith.constant 1 : i32
    %dma_start3A_151 = arith.constant 0 : i32
    %dma_start3A_152 = tpu.memref_slice %arg11[%dma_start3A_150, %dma_start3A_151] : memref<2x16384xf32, #tpu.memory_space<vmem>> -> memref<1x16384xf32, #tpu.memory_space<vmem>>
    %dma_start3A_153 = arith.constant 0 : i32
    %dma_start3A_154 = tpu.memref_slice %arg2[%add3A_144, %dma_start3A_153] : memref<64x16384xf32, #tpu.memory_space<hbm>> -> memref<1x16384xf32, #tpu.memory_space<hbm>>
    tpu.enqueue_dma source(%dma_start3A_154 : memref<1x16384xf32, #tpu.memory_space<hbm>>) target(%dma_start3A_152 : memref<1x16384xf32, #tpu.memory_space<vmem>>) target_semaphore(%arg16 : memref<!tpu.dma_semaphore, #tpu.memory_space<semaphore_mem>>)
    %dma_start3A_155 = arith.constant 0 : i32
    %dma_start3A_156 = arith.constant 0 : i32
    %dma_start3A_157 = tpu.memref_slice %arg11[%dma_start3A_155, %dma_start3A_156] : memref<2x16384xf32, #tpu.memory_space<vmem>> -> memref<1x16384xf32, #tpu.memory_space<vmem>>
    %dma_start3A_158 = arith.constant 0 : i32
    %dma_start3A_159 = tpu.memref_slice %arg6[%add3A_120, %dma_start3A_158] : memref<64x16384xf32, #tpu.memory_space<hbm>> -> memref<1x16384xf32, #tpu.memory_space<hbm>>
    %dma_start3A_160 = arith.constant 0 : i32
    %dma_start3A_161 = tpu.memref_slice %arg6[%add3A_120, %dma_start3A_160] : memref<64x16384xf32, #tpu.memory_space<hbm>> -> memref<1x16384xf32, #tpu.memory_space<hbm>>
    %dma_start3A_162 = arith.constant 0 : i32
    %dma_start3A_163 = arith.constant 0 : i32
    %dma_start3A_164 = tpu.memref_slice %arg11[%dma_start3A_162, %dma_start3A_163] : memref<2x16384xf32, #tpu.memory_space<vmem>> -> memref<1x16384xf32, #tpu.memory_space<vmem>>
    tpu.enqueue_dma source(%dma_start3A_164 : memref<1x16384xf32, #tpu.memory_space<vmem>>) target(%dma_start3A_161 : memref<1x16384xf32, #tpu.memory_space<hbm>>) target_semaphore(%arg17 : memref<!tpu.dma_semaphore, #tpu.memory_space<semaphore_mem>>)
    %mul3A_165 = arith.constant 2 : i32
    %mul3A_166 = arith.muli %add3A, %mul3A_165 : i32
    %add3A_167 = arith.constant 1 : i32
    %add3A_168 = arith.addi %mul3A_166, %add3A_167 : i32
    %dma_wait3A_169 = arith.constant 0 : i32
    %dma_wait3A_170 = tpu.memref_slice %arg4[%add3A_138, %dma_wait3A_169] : memref<64x65536xf32, #tpu.memory_space<hbm>> -> memref<1x65536xf32, #tpu.memory_space<hbm>>
    %dma_wait3A_171 = arith.constant 0 : i32
    %dma_wait3A_172 = tpu.memref_slice %arg4[%add3A_138, %dma_wait3A_171] : memref<64x65536xf32, #tpu.memory_space<hbm>> -> memref<1x65536xf32, #tpu.memory_space<hbm>>
    tpu.wait_dma2 semaphore(%arg15 : memref<!tpu.dma_semaphore, #tpu.memory_space<semaphore_mem>>) src(%dma_wait3A_172 : memref<1x65536xf32, #tpu.memory_space<hbm>>) dst(%arg10 : memref<1x65536xf32, #tpu.memory_space<vmem>>)
    %dma_wait3A_173 = arith.constant 1 : i32
    %dma_wait3A_174 = arith.constant 0 : i32
    %dma_wait3A_175 = tpu.memref_slice %arg11[%dma_wait3A_173, %dma_wait3A_174] : memref<2x16384xf32, #tpu.memory_space<vmem>> -> memref<1x16384xf32, #tpu.memory_space<vmem>>
    %dma_wait3A_176 = arith.constant 0 : i32
    %dma_wait3A_177 = tpu.memref_slice %arg2[%add3A_144, %dma_wait3A_176] : memref<64x16384xf32, #tpu.memory_space<hbm>> -> memref<1x16384xf32, #tpu.memory_space<hbm>>
    %dma_wait3A_178 = arith.constant 1 : i32
    %dma_wait3A_179 = arith.constant 0 : i32
    %dma_wait3A_180 = tpu.memref_slice %arg11[%dma_wait3A_178, %dma_wait3A_179] : memref<2x16384xf32, #tpu.memory_space<vmem>> -> memref<1x16384xf32, #tpu.memory_space<vmem>>
    %dma_wait3A_181 = arith.constant 0 : i32
    %dma_wait3A_182 = tpu.memref_slice %arg2[%add3A_144, %dma_wait3A_181] : memref<64x16384xf32, #tpu.memory_space<hbm>> -> memref<1x16384xf32, #tpu.memory_space<hbm>>
    tpu.wait_dma2 semaphore(%arg16 : memref<!tpu.dma_semaphore, #tpu.memory_space<semaphore_mem>>) src(%dma_wait3A_182 : memref<1x16384xf32, #tpu.memory_space<hbm>>) dst(%dma_wait3A_180 : memref<1x16384xf32, #tpu.memory_space<vmem>>)
    %parallel_loop3A_183 = arith.constant 0 : i32
    %parallel_loop3A_184 = arith.constant 1024 : i32
    %parallel_loop3A_185 = arith.constant 1 : i32
    scf.for %parallel_loop3A_220 = %parallel_loop3A_183 to %parallel_loop3A_184 step %parallel_loop3A_185  : i32 {
      %parallel_loop3A_221 = arith.constant 16 : i32
      %parallel_loop3A_222 = arith.muli %parallel_loop3A_220, %parallel_loop3A_221 : i32
      %parallel_loop3A_223 = arith.index_cast %parallel_loop3A_222 : i32 to index
      %parallel_loop3A_224 = tpu.vector_load %arg9[%parallel_loop3A_223] {strides = array<i32>} : memref<16384xi32, #tpu.memory_space<vmem>>, vector<16xi32>,
      %parallel_loop3A_225 = arith.constant 0 : i32
      %parallel_loop3A_226 = arith.constant 0 : i32
      %parallel_loop3A_227 = tpu.memref_slice %arg10[%parallel_loop3A_225, %parallel_loop3A_226] : memref<1x65536xf32, #tpu.memory_space<vmem>> -> memref<1x65536xf32, #tpu.memory_space<vmem>>
      %parallel_loop3A_228 = tpu.memref_squeeze %parallel_loop3A_227 : memref<1x65536xf32, #tpu.memory_space<vmem>> -> memref<65536xf32, #tpu.memory_space<vmem>>
      %parallel_loop3A_229 = tpu.vector_load_idx %parallel_loop3A_228[%parallel_loop3A_224] : memref<65536xf32, #tpu.memory_space<vmem>>[vector<16xi32>], vector<16xf32>,
      %parallel_loop3A_230 = arith.constant 1 : i32
      %parallel_loop3A_231 = arith.index_cast %parallel_loop3A_230 : i32 to index
      %parallel_loop3A_232 = arith.index_cast %parallel_loop3A_222 : i32 to index
      %parallel_loop3A_233 = tpu.vector_load %arg11[%parallel_loop3A_231, %parallel_loop3A_232] {strides = array<i32>} : memref<2x16384xf32, #tpu.memory_space<vmem>>, vector<16xf32>,
      tpu.vector_store %arg11[%parallel_loop3A_231, %parallel_loop3A_232], %parallel_loop3A_229 {add = true, strides = array<i32>} : memref<2x16384xf32, #tpu.memory_space<vmem>>, vector<16xf32>,
    } {sc.loop_unroll_factor = 16 : i64, sc.parallel_access}
    %dma_start3A_186 = arith.constant 1 : i32
    %dma_start3A_187 = arith.constant 0 : i32
    %dma_start3A_188 = tpu.memref_slice %arg11[%dma_start3A_186, %dma_start3A_187] : memref<2x16384xf32, #tpu.memory_space<vmem>> -> memref<1x16384xf32, #tpu.memory_space<vmem>>
    %dma_start3A_189 = arith.constant 0 : i32
    %dma_start3A_190 = tpu.memref_slice %arg6[%add3A_168, %dma_start3A_189] : memref<64x16384xf32, #tpu.memory_space<hbm>> -> memref<1x16384xf32, #tpu.memory_space<hbm>>
    %dma_start3A_191 = arith.constant 0 : i32
    %dma_start3A_192 = tpu.memref_slice %arg6[%add3A_168, %dma_start3A_191] : memref<64x16384xf32, #tpu.memory_space<hbm>> -> memref<1x16384xf32, #tpu.memory_space<hbm>>
    %dma_start3A_193 = arith.constant 1 : i32
    %dma_start3A_194 = arith.constant 0 : i32
    %dma_start3A_195 = tpu.memref_slice %arg11[%dma_start3A_193, %dma_start3A_194] : memref<2x16384xf32, #tpu.memory_space<vmem>> -> memref<1x16384xf32, #tpu.memory_space<vmem>>
    tpu.enqueue_dma source(%dma_start3A_195 : memref<1x16384xf32, #tpu.memory_space<vmem>>) target(%dma_start3A_192 : memref<1x16384xf32, #tpu.memory_space<hbm>>) target_semaphore(%arg17 : memref<!tpu.dma_semaphore, #tpu.memory_space<semaphore_mem>>)
    %dma_wait3A_196 = arith.constant 0 : i32
    %dma_wait3A_197 = arith.constant 0 : i32
    %dma_wait3A_198 = tpu.memref_slice %arg11[%dma_wait3A_196, %dma_wait3A_197] : memref<2x16384xf32, #tpu.memory_space<vmem>> -> memref<1x16384xf32, #tpu.memory_space<vmem>>
    %dma_wait3A_199 = arith.constant 0 : i32
    %dma_wait3A_200 = arith.constant 0 : i32
    %dma_wait3A_201 = tpu.memref_slice %arg6[%dma_wait3A_199, %dma_wait3A_200] : memref<64x16384xf32, #tpu.memory_space<hbm>> -> memref<1x16384xf32, #tpu.memory_space<hbm>>
    %dma_wait3A_202 = arith.constant 0 : i32
    %dma_wait3A_203 = arith.constant 0 : i32
    %dma_wait3A_204 = tpu.memref_slice %arg6[%dma_wait3A_202, %dma_wait3A_203] : memref<64x16384xf32, #tpu.memory_space<hbm>> -> memref<1x16384xf32, #tpu.memory_space<hbm>>
    %dma_wait3A_205 = arith.constant 0 : i32
    %dma_wait3A_206 = arith.constant 0 : i32
    %dma_wait3A_207 = tpu.memref_slice %arg11[%dma_wait3A_205, %dma_wait3A_206] : memref<2x16384xf32, #tpu.memory_space<vmem>> -> memref<1x16384xf32, #tpu.memory_space<vmem>>
    tpu.wait_dma2 semaphore(%arg17 : memref<!tpu.dma_semaphore, #tpu.memory_space<semaphore_mem>>) src(%dma_wait3A_207 : memref<1x16384xf32, #tpu.memory_space<vmem>>) dst(%dma_wait3A_204 : memref<1x16384xf32, #tpu.memory_space<hbm>>)
    %dma_wait3A_208 = arith.constant 0 : i32
    %dma_wait3A_209 = arith.constant 0 : i32
    %dma_wait3A_210 = tpu.memref_slice %arg11[%dma_wait3A_208, %dma_wait3A_209] : memref<2x16384xf32, #tpu.memory_space<vmem>> -> memref<1x16384xf32, #tpu.memory_space<vmem>>
    %dma_wait3A_211 = arith.constant 0 : i32
    %dma_wait3A_212 = arith.constant 0 : i32
    %dma_wait3A_213 = tpu.memref_slice %arg6[%dma_wait3A_211, %dma_wait3A_212] : memref<64x16384xf32, #tpu.memory_space<hbm>> -> memref<1x16384xf32, #tpu.memory_space<hbm>>
    %dma_wait3A_214 = arith.constant 0 : i32
    %dma_wait3A_215 = arith.constant 0 : i32
    %dma_wait3A_216 = tpu.memref_slice %arg6[%dma_wait3A_214, %dma_wait3A_215] : memref<64x16384xf32, #tpu.memory_space<hbm>> -> memref<1x16384xf32, #tpu.memory_space<hbm>>
    %dma_wait3A_217 = arith.constant 0 : i32
    %dma_wait3A_218 = arith.constant 0 : i32
    %dma_wait3A_219 = tpu.memref_slice %arg11[%dma_wait3A_217, %dma_wait3A_218] : memref<2x16384xf32, #tpu.memory_space<vmem>> -> memref<1x16384xf32, #tpu.memory_space<vmem>>
    tpu.wait_dma2 semaphore(%arg17 : memref<!tpu.dma_semaphore, #tpu.memory_space<semaphore_mem>>) src(%dma_wait3A_219 : memref<1x16384xf32, #tpu.memory_space<vmem>>) dst(%dma_wait3A_216 : memref<1x16384xf32, #tpu.memory_space<hbm>>)
    return
  }
}

</mosaic_0001>

<sc_bundles>
// kernel: kernel.3.cloned.1.call-start
scs
__scs_entry_jumppad:
0x0: {  	(pc) =	sbr.rel $0x88, $3  }
0x1: {  	(tag) =	ssettag $0x0;
	lr =	simm.s32 $0x1  }
0x2: {  	[smem:$0x3F9D] =	sst lr;
	_ =	strace $0xD0000000  }
0x3: {  	_ = 	snop  }
0x4: {  	_ = 	snop  }
0x5: {  	_ = 	snop  }
0x6: {  	_ = 	snop  }
0x7: {  	_ = 	snop  }
__scs_overlays_trampoline_lowered:
0x8: {  	[smem:$0x3FAC] =	sst s0  }
0x9: {  	[smem:$0x3FAD] =	sst s1  }
0xa: {  	[smem:$0x3FAE] =	sst s2  }
0xb: {  	[smem:$0x3FAF] =	sst s3  }
0xc: {  	[smem:$0x3FB0] =	sst s4  }
0xd: {  	[smem:$0x3FB1] =	sst s5  }
0xe: {  	[smem:$0x3FB2] =	sst s6  }
0xf: {  	[smem:$0x3FB3] =	sst s7  }
0x10: {  	[smem:$0x3FB4] =	sst s8  }
0x11: {  	[smem:$0x3FB5] =	sst s9;
	s0 =	simm.s32 @!p0 $0x0  }
0x12: {  	s1 =	sld [smem:$0x3F9B];
	s0 =	simm.s32 @p0 $0x1  }
0x13: {  	[smem:$0x3FB6] =	sst s0;
	s0 =	simm.s32 @!p1 $0x0  }
0x14: {  	s2 =	sld [smem:$0x3F9A];
	s0 =	simm.s32 @p1 $0x1  }
0x15: {  	[smem:$0x3FB7] =	sst s0;
	s0 =	simm.s32 @!p2 $0x0  }
0x16: {  	s3 =	sld [smem:$0x3FDB];
	s0 =	simm.s32 @p2 $0x1  }
0x17: {  	s4 =	simm.s32 $0x1BF5;
	[smem:$0x3FB9] =	sst s0  }
0x18: {  	s0 =	sld [smem:$0x3F9C];
	_ =	swait.ge [sflag:s4], $0x0  }
0x19: {  	s7 =	sld [smem:$0x3F9D]  }
0x1a: {  	s8 =	sadd.s32 $0xFFFFE003, lr  }
0x1b: {  	s9 =	sadd.s32 $0xFFFFFEF7, lr;
	s5 =	simm.s32 $0xFFFFFFFF;
	p2 =	slt.u32 s8, $0xFFFFF086  }
0x1c: {  	p1 =	slt.u32 s9, $0xF7A;
	s5 =	simm.s32 @!p2 $0x0  }
0x1d: {  	s5 =	simm.s32 @p1 $0x1;
	p0 =	seq.s32 s7, s2  }
0x1e: {  	s7 =	smul.u32 @!p0 $0xF7A, s2;
	p2 =	seq.s32 @!p0 s5, $0x0  }
0x1f: {  	s9 =	smul.u32 $0xF7A, s1;
	s8 =	simm.s32 @!p0 $0x1BF5;
	p2 =	por !p2, p0  }
0x20: {  	[sflag:s8] =	ssyncset.s32 @!p0 $0xFFFFF086;
	s6 =	sadd.s32 @!p0 s3, s7;
	s7 =	simm.s32 @!p0 $0x108  }
0x21: {  	s3 =	sadd.s32 s3, s9;
	s6 =	sadd.s32 @!p0 $0x88, s6;
	s7 =	simm.s32 @p2 $0x1082  }
0x22: {  	[simem:s7], [sflag:s8] =	dma.local @!p0 [hbm:s6], $0xF7A  }
0x23: {  	s9 =	sor.u32 $0xD0000000, s2;
	s6 =	simm.s32 $0x108;
	_ =	swait.ge @!p0 [sflag:s8], $0x0  }
0x24: {  	s3 =	sadd.s32 $0x88, s3;
	s6 =	simm.s32 @!p1 $0x1082;
	[sflag:s4] =	ssyncset.s32 $0xFFFFF086  }
0x25: {  	[simem:s6], [sflag:s4] =	dma.local [hbm:s3], $0xF7A  }
0x26: {  	[smem:$0x3F9D] =	sst s1;
	(tag) =	ssettag s2;
	_ =	strace s9  }
0x27: {  	s1 =	sld [smem:$0x3FAD]  }
0x28: {  	s2 =	sld [smem:$0x3FAE]  }
0x29: {  	s4 =	sld [smem:$0x3FB0]  }
0x2a: {  	p0 =	seq.s32 s5, $0x0;
	s5 =	sld [smem:$0x3FB1]  }
0x2b: {  	s6 =	sld [smem:$0x3FB2]  }
0x2c: {  	s7 =	sld [smem:$0x3FB3]  }
0x2d: {  	s3 =	simm.s32 $0x108;
	s8 =	sld [smem:$0x3FB4]  }
0x2e: {  	s3 =	simm.s32 @!p0 $0x1082;
	s9 =	sld [smem:$0x3FB5]  }
0x2f: {  	lr =	sadd.s32 s0, s3;
	s0 =	sld [smem:$0x3FAC]  }
0x30: {  	s3 =	sld [smem:$0x3FAF]  }
0x31: {  	[smem:$0x3FB8] =	sst s10  }
0x32: {  	s10 =	sld [smem:$0x3FB6];
	_ =	sdelay $0x3  }
0x33: {  	p0 =	seq.s32 s10, $0x1;
	s10 =	sld [smem:$0x3FB8];
	_ =	sdelay $0x3  }
0x34: {  	[smem:$0x3FB8] =	sst s10  }
0x35: {  	s10 =	sld [smem:$0x3FB7];
	_ =	sdelay $0x3  }
0x36: {  	p1 =	seq.s32 s10, $0x1;
	s10 =	sld [smem:$0x3FB8];
	_ =	sdelay $0x3  }
0x37: {  	[smem:$0x3FB8] =	sst s10  }
0x38: {  	s10 =	sld [smem:$0x3FB9]  }
0x39: {  	_ = 	snop;
	(pc) =	sbr.ind lr, $3  }
0x3a: {  	_ = 	snop  }
0x3b: {  	_ = 	snop  }
0x3c: {  	p2 =	seq.s32 s10, $0x1;
	s10 =	sld [smem:$0x3FB8]  }
0x3d: {  	_ =	shalt  }
0x3e: {  	_ =	shalt  }
0x3f: {  	_ =	shalt  }
0x40: {  	_ =	shalt  }
0x41: {  	_ =	shalt  }
0x42: {  	_ =	shalt  }
0x43: {  	_ =	shalt  }
0x44: {  	_ =	shalt  }
0x45: {  	_ =	shalt  }
0x46: {  	_ =	shalt  }
0x47: {  	_ =	shalt  }
0x48: {  	_ =	shalt  }
0x49: {  	_ =	shalt  }
0x4a: {  	_ =	shalt  }
0x4b: {  	_ =	shalt  }
0x4c: {  	_ =	shalt  }
0x4d: {  	_ =	shalt  }
0x4e: {  	_ =	shalt  }
0x4f: {  	_ =	shalt  }
0x50: {  	_ =	shalt  }
0x51: {  	_ =	shalt  }
0x52: {  	_ =	shalt  }
0x53: {  	_ =	shalt  }
0x54: {  	_ =	shalt  }
0x55: {  	_ =	shalt  }
0x56: {  	_ =	shalt  }
0x57: {  	_ =	shalt  }
0x58: {  	_ =	shalt  }
0x59: {  	_ =	shalt  }
0x5a: {  	_ =	shalt  }
0x5b: {  	_ =	shalt  }
0x5c: {  	_ =	shalt  }
0x5d: {  	_ =	shalt  }
0x5e: {  	_ =	shalt  }
0x5f: {  	_ =	shalt  }
0x60: {  	_ =	shalt  }
0x61: {  	_ =	shalt  }
0x62: {  	_ =	shalt  }
0x63: {  	_ =	shalt  }
0x64: {  	_ =	shalt  }
0x65: {  	_ =	shalt  }
0x66: {  	_ =	shalt  }
0x67: {  	_ =	shalt  }
0x68: {  	_ =	shalt  }
0x69: {  	_ =	shalt  }
0x6a: {  	_ =	shalt  }
0x6b: {  	_ =	shalt  }
0x6c: {  	_ =	shalt  }
0x6d: {  	_ =	shalt  }
0x6e: {  	_ =	shalt  }
0x6f: {  	_ =	shalt  }
0x70: {  	_ =	shalt  }
0x71: {  	_ =	shalt  }
0x72: {  	_ =	shalt  }
0x73: {  	_ =	shalt  }
0x74: {  	_ =	shalt  }
0x75: {  	_ =	shalt  }
0x76: {  	_ =	shalt  }
0x77: {  	_ =	shalt  }
0x78: {  	_ =	shalt  }
0x79: {  	_ =	shalt  }
0x7a: {  	_ =	shalt  }
0x7b: {  	_ =	shalt  }
0x7c: {  	_ =	shalt  }
0x7d: {  	_ =	shalt  }
0x7e: {  	_ =	shalt  }
0x7f: {  	_ =	shalt  }
0x80: {  	_ =	shalt  }
0x81: {  	_ =	shalt  }
0x82: {  	_ =	shalt  }
0x83: {  	_ =	shalt  }
0x84: {  	_ =	shalt  }
0x85: {  	_ =	shalt  }
0x86: {  	_ =	shalt  }
0x87: {  	_ =	shalt  }
.Lfunc_end0:
.L_simem_size_0:
called_computation_lowered:
.L_overlay_start_0:
0x88: {  	s2 =	sld [smem:$0x3FD9]  }
0x89: {  	s3 =	sld [smem:$0x3FFE];
	_ =	sdelay $0x1  }
0x8a: {  	s1 =	srdreg.scid  }
0x8b: {  	s0 =	sand.u32 $0x1, s1  }
0x8c: {  	s18 =	sshll.u32 s0, $0xA;
	s2 =	sadd.s32 s3, s2  }
0x8d: {  	s2 =	sadd.s32 s2, s18  }
0x8e: {  	[smem:$0x3FC4] =	sst s2  }
0x8f: {  	_ = 	snop  }
0x90: {  	s2 =	sld [smem:$0x3FC9]  }
0x91: {  	s19 =	sld [smem:$0x3FC8]  }
0x92: {  	s4 =	sld [smem:$0x3FC7]  }
0x93: {  	s5 =	sld [smem:$0x3FC6]  }
0x94: {  	s6 =	sld [smem:$0x3FD0];
	(tm) =	ssettm $0x1  }
0x95: {  	s7 =	sld [smem:$0x3FFB];
	_ =	sdelay $0x3  }
0x96: {  	_ =	strace s7  }
0x97: {  	s7 =	sld [smem:$0x3FFC];
	_ =	sdelay $0x3  }
0x98: {  	_ =	strace s7  }
0x99: {  	s7 =	sld [smem:$0x3FFD];
	_ =	sdelay $0x3  }
0x9a: {  	_ =	strace s7  }
0x9b: {  	_ =	strace $0x8FFFFFFF  }
0x9c: {  	s20 =	sld [smem:$0x3FDB];
	_ =	sdelay $0x1  }
0x9d: {  	s8 =	simm.s32 $_scs_section_size  }
0x9e: {  	s9 =	simm.s32 $_size__tile_overlayer_lowered;
	s10 =	simm.s32 $_tile_overlayer_lowered  }
0x9f: {  	s23 =	simm.s32 $0x1BFF;
	s22 =	sshll.u32 s10, $0x1;
	s7 =	sadd.s32 s8, s20  }
0xa0: {  	s11 =	simm.s32 $0x0;
	s21 =	sshll.u32 s9, $0x1;
	s9 =	sadd.s32 s22, s7  }
0xa1: {  	[timem:s11], [sflag:s23] =	dma.local [hbm:s9], s21  }
0xa2: {  	_ =	swait.ge [sflag:s23], s21  }
0xa3: {  	s8 =	ssub.s32 $0x0, s21;
	[sflag:s23] =	ssyncset.done $0x0  }
0xa4: {  	[sflag:s23] =	ssyncadd.s32 s8;
	_ =	sdelay $0x1  }
0xa5: {  	s24 =	simm.s32 $0x1B8B  }
0xa6: {  	_ =	swait.ge [sflag:s24], $0x1  }
0xa7: {  	[sflag:s24] =	ssyncset.done $0x0  }
0xa8: {  	s25 =	simm.s32 $0x1B8E;
	[sflag:s24] =	ssyncadd.s32 $0xFFFFFFFF  }
0xa9: {  	s26 =	simm.s32 $execute0_lowered;
	[smem:$0x3FD2] =	sst s25  }
0xaa: {  	s8 =	sshll.u32 s26, $0x1;
	_ =	strace $0x80000046;
	[dreg:$0x1] =	wrdreg $0xFFFFFFFF  }
0xab: {  	s28 =	simm.s32 $_size_execute0_lowered;
	s7 =	sadd.s32 s7, s8;
	[dreg:$0x0] =	wrdreg $0x0  }
0xac: {  	s8 =	sshll.u32 s28, $0x1;
	[dreg:$0x2] =	wrdreg s7  }
0xad: {  	[dreg:$0x3] =	wrdreg s8  }
0xae: {  	[dreg:$0x4] =	wrdreg $0xC0  }
0xaf: {  	_ =	task [dreg:s11], $0x5FFFF  }
0xb0: {  	[dreg:$0x1] =	wrdreg $0xFFFFFFFF  }
0xb1: {  	[dreg:$0x0] =	wrdreg $0x60  }
0xb2: {  	[dreg:$0x2] =	wrdreg s2  }
0xb3: {  	[dreg:$0x3] =	wrdreg s19  }
0xb4: {  	[dreg:$0x4] =	wrdreg s4  }
0xb5: {  	[dreg:$0x5] =	wrdreg s5  }
0xb6: {  	[dreg:$0x6] =	wrdreg s6  }
0xb7: {  	[dreg:$0x7] =	wrdreg $0x1C8000  }
0xb8: {  	[dreg:$0x8] =	wrdreg $0x9  }
0xb9: {  	_ =	task.clear_ibuf [dreg:s11], $0x9FFFF;
	_ =	strace $0x90000046  }
0xba: {  	s29 =	simm.s32 $0x9;
	_ =	strace $0x80000048  }
0xbb: {  	_ =	swait.ge [sflag:s29], $0x1  }
0xbc: {  	[sflag:s29] =	ssyncadd.s32 $0xFFFFFFFF  }
0xbd: {  	_ =	strace $0x90000048  }
0xbe: {  	_ =	sfence  }
0xbf: {  	s30 =	sld [smem:$0x0];
	_ =	sdelay $0x2  }
0xc0: {  	s31 =	sshll.u32 s1, $0xD;
	s1 =	sshrl.u32 s1, $0x2  }
0xc1: {  	s3 =	sand.u32 $0x4000, s31;
	s1 =	sadd.s32 s1, s30  }
0xc2: {  	s0 =	sor.u32 s3, s0;
	s1 =	sshll.u32 s1, $0x11  }
0xc3: {  	s0 =	sor.u32 s1, s0  }
0xc4: {  	s0 =	sadd.s32 $0x8F2B, s0  }
0xc5: {  	[sflag:s0] =	ssyncadd.remote.s32 $0x1  }
0xc6: {  	_ =	sfence.sel $0xFFFF  }
0xc7: {  	[dreg:$0x0] =	wrdreg $0xFFFFFFFF;
	(pc) =	sbr.abs _section_cstart, $3  }
0xc8: {  	[dreg:$0x1] =	wrdreg $0xFFFFFFFF  }
0xc9: {  	_ =	task.clear_ibuf [dreg:s11], $0x2FFFF;
	_ =	strace $0x9FFFFFFF  }
0xca: {  	(tm) =	ssettm $0x7FFFFFFF  }
0xcb: {  	_ =	shalt  }
tec
execute0_lowered:
.L_overlay_start_1:
0x0: {  	(tag) =	ssettag $0x1  }
0x1: {  	s0 =	rddreg [dreg:$0x0]  }
0x2: {  	s2 =	rddreg [dreg:$0x1]  }
0x3: {  	s3 =	rddreg [dreg:$0x2]  }
0x4: {  	s1 =	rddreg [dreg:$0x3]  }
0x5: {  	s12 =	rddreg [dreg:$0x4]  }
0x6: {  	s15 =	rddreg [dreg:$0x5];
	s5 =	srdreg.scid;
	s4 =	simm.s32 $0x0  }
0x7: {  	s11 =	stileid.u32;
	s16 =	simm.s32 $0x400;
	s28 =	simm.s32 $0x700  }
0x8: {  	s29 =	simm.s32 $0x380;
	s30 =	simm.s32 $0x780;
	s31 =	simm.s32 $0x4800  }
0x9: {  	s17 =	simm.s32 $0x3;
	s18 =	simm.s32 $0x4;
	s5 =	sand.u32 $0x1, s5  }
0xa: {  	[smem:$0x7FF] =	sst s4;
	s7 =	sshll.u32 s11, $0x1;
	s8 =	sshll.u32 s11, $0x8  }
0xb: {  	s21 =	sshll.u32 s11, $0x7;
	s26 =	sshll.u32 s11, $0xA;
	s6 =	sshll.u32 s5, $0x5  }
0xc: {  	_ =	strace $0x80000047;
	s5 =	ssub.s32 $0x2, s5;
	s20 =	sand.u32 $0x300, s8  }
0xd: {  	s6 =	sor.u32 s7, s6;
	s19 =	sshrl.u32 s5, $0x1;
	s25 =	sor.u32 $0x80, s20  }
0xe: {  	s6 =	sshrl.u32 s6, $0x3;
	s13 =	ssub.s32 s5, s19;
	s5 =	sadd.s32 s2, s21  }
0xf: {  	s2 =	simm.s32 $0x6;
	s19 =	simm.s32 $0x5;
	s9 =	sshll.u32 s6, $0x13  }
0x10: {  	s10 =	sshll.u32 s6, $0x11;
	s13 =	smax.u32 s13, $0x1;
	s8 =	sor.u32 s20, s9  }
0x11: {  	s23 =	sor.u32 s20, s10;
	s9 =	sor.u32 s25, s9;
	s20 =	simm.s32 $0x0  }
0x12: {  	s22 =	sshrl.u32 s8, $0x3;
	s24 =	sshrl.u32 s23, $0x3;
	s8 =	sor.u32 s25, s10  }
0x13: {  	s9 =	sshrl.u32 s9, $0x3;
	s25 =	simm.s32 $0x680;
	s6 =	sadd.s32 s3, s22  }
0x14: {  	s7 =	sadd.s32 s0, s24;
	s14 =	sshrl.u32 s8, $0x3;
	s8 =	sadd.s32 s26, s15  }
0x15: {  	s9 =	sadd.s32 s3, s9;
	s11 =	sadd.s32 s12, s24;
	s15 =	simm.s32 $0x80  }
0x16: {  	s26 =	simm.s32 $0x300;
	s3 =	simm.s32 $0x800;
	s10 =	sadd.s32 s0, s14  }
0x17: {  	s12 =	sadd.s32 s12, s14;
	s14 =	simm.s32 $0x1;
	s0 =	simm.s32 $0x2  }
.LBB2_1:
0x18: {  	[tilespmem:s4], [sflag:$0x1] =	stream.linear.gather [hbm4b:s5+s4], $0x400, $0x38;
	[tilespmem:$0x1CC00] =	vst v63  }
0x19: {  	_ =	swait.ge [sflag:s14], $0x400  }
0x1a: {  	[sflag:s14] =	ssyncset.done $0x0  }
0x1b: {  	[sflag:s14] =	ssyncadd.s32 $0xFFFFFC00  }
0x1c: {  	[tilespmem:s16], [sflag:$0x2] =	stream.indirect.gather [hbm4b:s1+s15], $0x1, s4, s15, $0xb8;
	[tilespmem:$0x1CC00] =	vst v63  }
0x1d: {  	s21 =	simm.s32 $0x480  }
0x1e: {  	[tilespmem:s21], [sflag:$0x2] =	stream.indirect.gather [hbm4b:s1+s15], $0x1, s15, s15, $0xb8;
	[tilespmem:$0x1CC00] =	vst v63  }
0x1f: {  	s24 =	simm.s32 $0x100;
	s22 =	simm.s32 $0x500  }
0x20: {  	[tilespmem:s22], [sflag:$0x2] =	stream.indirect.gather [hbm4b:s1+s15], $0x1, s24, s15, $0xb8;
	[tilespmem:$0x1CC00] =	vst v63  }
0x21: {  	s23 =	simm.s32 $0x180;
	s24 =	simm.s32 $0x580  }
0x22: {  	[tilespmem:s24], [sflag:$0x2] =	stream.indirect.gather [hbm4b:s1+s15], $0x1, s23, s15, $0xb8;
	[tilespmem:$0x1CC00] =	vst v63  }
0x23: {  	s22 =	simm.s32 $0x200;
	s23 =	simm.s32 $0x600  }
0x24: {  	[tilespmem:s23], [sflag:$0x2] =	stream.indirect.gather [hbm4b:s1+s15], $0x1, s22, s15, $0xb8;
	[tilespmem:$0x1CC00] =	vst v63  }
0x25: {  	s24 =	simm.s32 $0x280  }
0x26: {  	[tilespmem:s25], [sflag:$0x2] =	stream.indirect.gather [hbm4b:s1+s15], $0x1, s24, s15, $0xb8;
	[tilespmem:$0x1CC00] =	vst v63  }
0x27: {  	_ = 	snop  }
0x28: {  	[tilespmem:s28], [sflag:$0x2] =	stream.indirect.gather [hbm4b:s1+s15], $0x1, s26, s15, $0xb8;
	[tilespmem:$0x1CC00] =	vst v63  }
0x29: {  	s21 =	simm.s32 $0x14800  }
0x2a: {  	[tilespmem:s30], [sflag:$0x2] =	stream.indirect.gather [hbm4b:s1+s15], $0x1, s29, s15, $0xb8;
	[tilespmem:$0x1CC00] =	vst v63  }
0x2b: {  	s22 =	simm.s32 $0x80;
	s23 =	simm.s32 $0x14900;
	s24 =	sadd.s32 $0x0, s7  }
0x2c: {  	[tilespmem:s31], [sflag:$0x3] =	stream.strided.gather [hbm4b:s6+s15], $0x10000, s16, s15, $0x38;
	[tilespmem:$0x1CC00] =	vst v63  }
.LBB2_2:
0x2d: {  	[tilespmem:s21], [sflag:$0x4] =	stream.linear.gather [hbm4b:s24+s4], $0x80, $0x38;
	[tilespmem:$0x1CC00] =	vst v63  }
0x2e: {  	s24 =	smov.u32 s22;
	s21 =	smov.u32 s23;
	p0 =	sne.s32 s22, $0x3F80  }
.Ltmp0:
0x2f: {  	s22 =	sadd.s32 $0x80, s22;
	(pc) =	sbr.rel @p0 .LBB2_2-.Ltmp0, $2  }
0x30: {  	_ =	sdelay $0x2  }
0x31: {  	s23 =	sadd.s32 $0x100, s23;
	s24 =	sadd.s32 s24, s7  }
0x32: {  	[tilespmem:s21], [sflag:$0x4] =	stream.linear.gather [hbm4b:s24+s4], $0x80, $0x38;
	[tilespmem:$0x1CC00] =	vst v63  }
0x33: {  	_ =	swait.ge [sflag:s0], $0x80  }
0x34: {  	[sflag:s0] =	ssyncset.done $0x0  }
0x35: {  	[sflag:s0] =	ssyncadd.s32 $0xFFFFFF80  }
0x36: {  	_ =	swait.ge [sflag:s0], $0x80  }
0x37: {  	[sflag:s0] =	ssyncset.done $0x0  }
0x38: {  	[sflag:s0] =	ssyncadd.s32 $0xFFFFFF80  }
0x39: {  	_ =	swait.ge [sflag:s0], $0x80  }
0x3a: {  	[sflag:s0] =	ssyncset.done $0x0  }
0x3b: {  	[sflag:s0] =	ssyncadd.s32 $0xFFFFFF80  }
0x3c: {  	_ =	swait.ge [sflag:s0], $0x80  }
0x3d: {  	[sflag:s0] =	ssyncset.done $0x0  }
0x3e: {  	[sflag:s0] =	ssyncadd.s32 $0xFFFFFF80  }
0x3f: {  	_ =	swait.ge [sflag:s0], $0x80  }
0x40: {  	[sflag:s0] =	ssyncset.done $0x0  }
0x41: {  	[sflag:s0] =	ssyncadd.s32 $0xFFFFFF80  }
0x42: {  	_ =	swait.ge [sflag:s0], $0x80  }
0x43: {  	[sflag:s0] =	ssyncset.done $0x0  }
0x44: {  	[sflag:s0] =	ssyncadd.s32 $0xFFFFFF80  }
0x45: {  	_ =	swait.ge [sflag:s0], $0x80  }
0x46: {  	[sflag:s0] =	ssyncset.done $0x0  }
0x47: {  	[sflag:s0] =	ssyncadd.s32 $0xFFFFFF80  }
0x48: {  	_ =	swait.ge [sflag:s0], $0x80  }
0x49: {  	[sflag:s0] =	ssyncset.done $0x0  }
0x4a: {  	[sflag:s0] =	ssyncadd.s32 $0xFFFFFF80  }
0x4b: {  	[spmem:s8] =	stream.linear.scatter [tilespmem:s16], [sflag:$0x6], $0x400, $0x38;
	[tilespmem:$0x1CC00] =	vst v63  }
0x4c: {  	_ =	swait.ge [sflag:s2], $0x400  }
0x4d: {  	[sflag:s2] =	ssyncset.done $0x0  }
0x4e: {  	[sflag:s2] =	ssyncadd.s32 $0xFFFFFC00  }
0x4f: {  	[bflag:$0x0] =	sbarrier.arrive $0xFFFF  }
0x50: {  	s24 =	rddreg [dreg:$0x5]  }
0x51: {  	[tilespmem:s3], [sflag:$0x1] =	stream.linear.gather [spmem:s24], $0x4000, $0x38;
	[tilespmem:$0x1CC00] =	vst v63  }
0x52: {  	_ =	swait.ge [sflag:s14], $0x4000  }
0x53: {  	[sflag:s14] =	ssyncset.done $0x0  }
0x54: {  	[sflag:s14] =	ssyncadd.s32 $0xFFFFC000  }
0x55: {  	_ =	swait.ge [sflag:s17], $0x10000  }
0x56: {  	[sflag:s17] =	ssyncset.done $0x0  }
0x57: {  	[sflag:s17] =	ssyncadd.s32 $0xFFFF0000  }
0x58: {  	_ =	swait.ge [sflag:s18], $0x4000  }
0x59: {  	[sflag:s18] =	ssyncset.done $0x0  }
0x5a: {  	s22 =	simm.s32 $0x880;
	[sflag:s18] =	ssyncadd.s32 $0xFFFFC000  }
0x5b: {  	v0 =	vld [tilespmem:s22+$0x70]  }
0x5c: {  	v1 =	vld [tilespmem:s22+$0xFFFFFF90]  }
0x5d: {  	v2 =	vld [tilespmem:s22+$0xFFFFFFA0]  }
0x5e: {  	v3 =	vld [tilespmem:s22+$0xFFFFFFB0]  }
0x5f: {  	v4 =	vld [tilespmem:s22+$0xFFFFFFC0]  }
0x60: {  	v5 =	vld [tilespmem:s22+$0xFFFFFFD0]  }
0x61: {  	v6 =	vld [tilespmem:s22+$0xFFFFFFE0]  }
0x62: {  	v7 =	vld [tilespmem:s22+$0xFFFFFFF0]  }
0x63: {  	v8 =	vld [tilespmem:s22+$0x0]  }
0x64: {  	v9 =	vld [tilespmem:s22+$0x10]  }
0x65: {  	v10 =	vld [tilespmem:s22+$0x20]  }
0x66: {  	v11 =	vld [tilespmem:s22+$0x30]  }
0x67: {  	v12 =	vld [tilespmem:s22+$0x40]  }
0x68: {  	v63 =	vld [tilespmem:s22+$0x50]  }
0x69: {  	v13 =	vld [tilespmem:s22+$0x60]  }
0x6a: {  	v14 =	vld [tilespmem:s22+$0xFFFFFF80]  }
0x6b: {  	v0 =	vld.idx.msk [tilespmem:v0+s31+$0x0], $0xffff  }
0x6c: {  	v1 =	vld.idx.msk [tilespmem:v1+s31+$0x0], $0xffff  }
0x6d: {  	v2 =	vld.idx.msk [tilespmem:v2+s31+$0x0], $0xffff  }
0x6e: {  	v3 =	vld.idx.msk [tilespmem:v3+s31+$0x0], $0xffff  }
0x6f: {  	v4 =	vld.idx.msk [tilespmem:v4+s31+$0x0], $0xffff  }
0x70: {  	v5 =	vld.idx.msk [tilespmem:v5+s31+$0x0], $0xffff  }
0x71: {  	v6 =	vld.idx.msk [tilespmem:v6+s31+$0x0], $0xffff  }
0x72: {  	v7 =	vld.idx.msk [tilespmem:v7+s31+$0x0], $0xffff  }
0x73: {  	v14 =	vld.idx.msk [tilespmem:v14+s31+$0x0], $0xffff  }
0x74: {  	v8 =	vld.idx.msk [tilespmem:v8+s31+$0x0], $0xffff  }
0x75: {  	v9 =	vld.idx.msk [tilespmem:v9+s31+$0x0], $0xffff  }
0x76: {  	v10 =	vld.idx.msk [tilespmem:v10+s31+$0x0], $0xffff  }
0x77: {  	v11 =	vld.idx.msk [tilespmem:v11+s31+$0x0], $0xffff  }
0x78: {  	v12 =	vld.idx.msk [tilespmem:v12+s31+$0x0], $0xffff  }
0x79: {  	s21 =	simm.s32 $0x14970;
	v13 =	vld.idx.msk [tilespmem:v13+s31+$0x0], $0xffff  }
0x7a: {  	[tilespmem:s21+$0x0] =	vst.add.f32.msk $0xffff, v0  }
0x7b: {  	v0 =	vld.idx.msk [tilespmem:v63+s31+$0x0], $0xffff  }
0x7c: {  	[tilespmem:s21+$0xFFFFFE90] =	vst.add.f32.msk $0xffff, v14  }
0x7d: {  	[tilespmem:s21+$0xFFFFFEA0] =	vst.add.f32.msk $0xffff, v1  }
0x7e: {  	[tilespmem:s21+$0xFFFFFEB0] =	vst.add.f32.msk $0xffff, v2  }
0x7f: {  	[tilespmem:s21+$0xFFFFFEC0] =	vst.add.f32.msk $0xffff, v3  }
0x80: {  	[tilespmem:s21+$0xFFFFFED0] =	vst.add.f32.msk $0xffff, v4  }
0x81: {  	[tilespmem:s21+$0xFFFFFEE0] =	vst.add.f32.msk $0xffff, v5  }
0x82: {  	[tilespmem:s21+$0xFFFFFEF0] =	vst.add.f32.msk $0xffff, v6  }
0x83: {  	[tilespmem:s21+$0xFFFFFF00] =	vst.add.f32.msk $0xffff, v7  }
0x84: {  	[tilespmem:s21+$0xFFFFFF90] =	vst.add.f32.msk $0xffff, v8  }
0x85: {  	[tilespmem:s21+$0xFFFFFFA0] =	vst.add.f32.msk $0xffff, v9  }
0x86: {  	[tilespmem:s21+$0xFFFFFFB0] =	vst.add.f32.msk $0xffff, v10  }
0x87: {  	[tilespmem:s21+$0xFFFFFFC0] =	vst.add.f32.msk $0xffff, v11  }
0x88: {  	[tilespmem:s21+$0xFFFFFFD0] =	vst.add.f32.msk $0xffff, v12  }
0x89: {  	[tilespmem:s21+$0xFFFFFFF0] =	vst.add.f32.msk $0xffff, v13  }
0x8a: {  	s23 =	simm.s32 $0x980;
	s22 =	simm.s32 $0x0;
	[tilespmem:s21+$0xFFFFFFE0] =	vst.add.f32.msk $0xffff, v0  }
.LBB2_4:
0x8b: {  	v0 =	vld [tilespmem:s23+$0x70];
	s22 =	sadd.s32 $0x10, s22  }
0x8c: {  	v1 =	vld [tilespmem:s23+$0xFFFFFF90];
	p0 =	slt.u32 s22, $0x3F0  }
0x8d: {  	v2 =	vld [tilespmem:s23+$0xFFFFFFA0]  }
0x8e: {  	v3 =	vld [tilespmem:s23+$0xFFFFFFB0]  }
0x8f: {  	v4 =	vld [tilespmem:s23+$0xFFFFFFC0]  }
0x90: {  	v5 =	vld [tilespmem:s23+$0xFFFFFFD0]  }
0x91: {  	v6 =	vld [tilespmem:s23+$0xFFFFFFE0]  }
0x92: {  	v7 =	vld [tilespmem:s23+$0xFFFFFFF0]  }
0x93: {  	v0 =	vld.idx.msk [tilespmem:v0+s31+$0x0], $0xffff  }
0x94: {  	v8 =	vld [tilespmem:s23+$0x0]  }
0x95: {  	v9 =	vld [tilespmem:s23+$0x10]  }
0x96: {  	v10 =	vld [tilespmem:s23+$0x20]  }
0x97: {  	v11 =	vld [tilespmem:s23+$0x30]  }
0x98: {  	s21 =	sadd.s32 $0x200, s21;
	v12 =	vld [tilespmem:s23+$0x40]  }
0x99: {  	[tilespmem:s21+$0x0] =	vst.add.f32.msk $0xffff, v0  }
0x9a: {  	v0 =	vld [tilespmem:s23+$0x50]  }
0x9b: {  	v13 =	vld [tilespmem:s23+$0x60]  }
0x9c: {  	v14 =	vld [tilespmem:s23+$0xFFFFFF80]  }
0x9d: {  	v1 =	vld.idx.msk [tilespmem:v1+s31+$0x0], $0xffff  }
0x9e: {  	v2 =	vld.idx.msk [tilespmem:v2+s31+$0x0], $0xffff  }
0x9f: {  	v3 =	vld.idx.msk [tilespmem:v3+s31+$0x0], $0xffff  }
0xa0: {  	v4 =	vld.idx.msk [tilespmem:v4+s31+$0x0], $0xffff  }
0xa1: {  	v5 =	vld.idx.msk [tilespmem:v5+s31+$0x0], $0xffff  }
0xa2: {  	v6 =	vld.idx.msk [tilespmem:v6+s31+$0x0], $0xffff  }
0xa3: {  	v7 =	vld.idx.msk [tilespmem:v7+s31+$0x0], $0xffff  }
0xa4: {  	v14 =	vld.idx.msk [tilespmem:v14+s31+$0x0], $0xffff  }
0xa5: {  	v8 =	vld.idx.msk [tilespmem:v8+s31+$0x0], $0xffff  }
0xa6: {  	v9 =	vld.idx.msk [tilespmem:v9+s31+$0x0], $0xffff  }
0xa7: {  	v10 =	vld.idx.msk [tilespmem:v10+s31+$0x0], $0xffff  }
0xa8: {  	v11 =	vld.idx.msk [tilespmem:v11+s31+$0x0], $0xffff  }
0xa9: {  	v12 =	vld.idx.msk [tilespmem:v12+s31+$0x0], $0xffff  }
0xaa: {  	v0 =	vld.idx.msk [tilespmem:v0+s31+$0x0], $0xffff  }
0xab: {  	v13 =	vld.idx.msk [tilespmem:v13+s31+$0x0], $0xffff  }
0xac: {  	[tilespmem:s21+$0xFFFFFE90] =	vst.add.f32.msk $0xffff, v14  }
0xad: {  	[tilespmem:s21+$0xFFFFFEA0] =	vst.add.f32.msk $0xffff, v1  }
0xae: {  	[tilespmem:s21+$0xFFFFFEB0] =	vst.add.f32.msk $0xffff, v2  }
0xaf: {  	[tilespmem:s21+$0xFFFFFEC0] =	vst.add.f32.msk $0xffff, v3  }
0xb0: {  	[tilespmem:s21+$0xFFFFFED0] =	vst.add.f32.msk $0xffff, v4  }
0xb1: {  	[tilespmem:s21+$0xFFFFFEE0] =	vst.add.f32.msk $0xffff, v5  }
0xb2: {  	[tilespmem:s21+$0xFFFFFEF0] =	vst.add.f32.msk $0xffff, v6  }
0xb3: {  	[tilespmem:s21+$0xFFFFFF00] =	vst.add.f32.msk $0xffff, v7  }
0xb4: {  	[tilespmem:s21+$0xFFFFFF90] =	vst.add.f32.msk $0xffff, v8  }
0xb5: {  	[tilespmem:s21+$0xFFFFFFA0] =	vst.add.f32.msk $0xffff, v9  }
.Ltmp1:
0xb6: {  	[tilespmem:s21+$0xFFFFFFB0] =	vst.add.f32.msk $0xffff, v10;
	(pc) =	sbr.rel @p0 .LBB2_4-.Ltmp1, $4  }
0xb7: {  	[tilespmem:s21+$0xFFFFFFC0] =	vst.add.f32.msk $0xffff, v11  }
0xb8: {  	[tilespmem:s21+$0xFFFFFFD0] =	vst.add.f32.msk $0xffff, v12  }
0xb9: {  	[tilespmem:s21+$0xFFFFFFE0] =	vst.add.f32.msk $0xffff, v0  }
0xba: {  	s23 =	sadd.s32 $0x100, s23;
	[tilespmem:s21+$0xFFFFFFF0] =	vst.add.f32.msk $0xffff, v13  }
0xbb: {  	[tilespmem:s31], [sflag:$0x3] =	stream.strided.gather [hbm4b:s9+s15], $0x10000, s16, s15, $0x38;
	[tilespmem:$0x1CC00] =	vst v63  }
0xbc: {  	s21 =	simm.s32 $0x14880  }
0xbd: {  	s22 =	simm.s32 $0x80;
	s24 =	sadd.s32 $0x0, s10;
	s23 =	simm.s32 $0x14980  }
.LBB2_6:
0xbe: {  	[tilespmem:s21], [sflag:$0x4] =	stream.linear.gather [hbm4b:s24+s4], $0x80, $0x38;
	[tilespmem:$0x1CC00] =	vst v63  }
0xbf: {  	s24 =	smov.u32 s22;
	s21 =	smov.u32 s23;
	p0 =	sne.s32 s22, $0x3F80  }
.Ltmp2:
0xc0: {  	s22 =	sadd.s32 $0x80, s22;
	(pc) =	sbr.rel @p0 .LBB2_6-.Ltmp2, $2  }
0xc1: {  	_ =	sdelay $0x2  }
0xc2: {  	s23 =	sadd.s32 $0x100, s23;
	s24 =	sadd.s32 s24, s10  }
0xc3: {  	[tilespmem:s21], [sflag:$0x4] =	stream.linear.gather [hbm4b:s24+s4], $0x80, $0x38;
	[tilespmem:$0x1CC00] =	vst v63  }
0xc4: {  	s21 =	simm.s32 $0x14800  }
0xc5: {  	s22 =	simm.s32 $0x80;
	s24 =	sadd.s32 $0x0, s11;
	s23 =	simm.s32 $0x14900  }
.LBB2_8:
0xc6: {  	[hbm4b:s24+s4] =	stream.linear.scatter [tilespmem:s21], [sflag:$0x5], $0x80, $0x38;
	[tilespmem:$0x1CC00] =	vst v63  }
0xc7: {  	s24 =	smov.u32 s22;
	s21 =	smov.u32 s23;
	p0 =	sne.s32 s22, $0x3F80  }
.Ltmp3:
0xc8: {  	s22 =	sadd.s32 $0x80, s22;
	(pc) =	sbr.rel @p0 .LBB2_8-.Ltmp3, $2  }
0xc9: {  	_ =	sdelay $0x2  }
0xca: {  	s23 =	sadd.s32 $0x100, s23;
	s24 =	sadd.s32 s24, s11  }
0xcb: {  	[hbm4b:s24+s4] =	stream.linear.scatter [tilespmem:s21], [sflag:$0x5], $0x80, $0x38;
	[tilespmem:$0x1CC00] =	vst v63  }
0xcc: {  	_ =	swait.ge [sflag:s17], $0x10000  }
0xcd: {  	[sflag:s17] =	ssyncset.done $0x0  }
0xce: {  	[sflag:s17] =	ssyncadd.s32 $0xFFFF0000  }
0xcf: {  	_ =	swait.ge [sflag:s18], $0x4000  }
0xd0: {  	[sflag:s18] =	ssyncset.done $0x0  }
0xd1: {  	s22 =	simm.s32 $0x880;
	[sflag:s18] =	ssyncadd.s32 $0xFFFFC000  }
0xd2: {  	v0 =	vld [tilespmem:s22+$0x70]  }
0xd3: {  	v1 =	vld [tilespmem:s22+$0xFFFFFF90]  }
0xd4: {  	v2 =	vld [tilespmem:s22+$0xFFFFFFA0]  }
0xd5: {  	v3 =	vld [tilespmem:s22+$0xFFFFFFB0]  }
0xd6: {  	v4 =	vld [tilespmem:s22+$0xFFFFFFC0]  }
0xd7: {  	v5 =	vld [tilespmem:s22+$0xFFFFFFD0]  }
0xd8: {  	v6 =	vld [tilespmem:s22+$0xFFFFFFE0]  }
0xd9: {  	v7 =	vld [tilespmem:s22+$0xFFFFFFF0]  }
0xda: {  	v8 =	vld [tilespmem:s22+$0x0]  }
0xdb: {  	v9 =	vld [tilespmem:s22+$0x10]  }
0xdc: {  	v10 =	vld [tilespmem:s22+$0x20]  }
0xdd: {  	v11 =	vld [tilespmem:s22+$0x30]  }
0xde: {  	v12 =	vld [tilespmem:s22+$0x40]  }
0xdf: {  	v63 =	vld [tilespmem:s22+$0x50]  }
0xe0: {  	v13 =	vld [tilespmem:s22+$0x60]  }
0xe1: {  	v14 =	vld [tilespmem:s22+$0xFFFFFF80]  }
0xe2: {  	v0 =	vld.idx.msk [tilespmem:v0+s31+$0x0], $0xffff  }
0xe3: {  	v1 =	vld.idx.msk [tilespmem:v1+s31+$0x0], $0xffff  }
0xe4: {  	v2 =	vld.idx.msk [tilespmem:v2+s31+$0x0], $0xffff  }
0xe5: {  	v3 =	vld.idx.msk [tilespmem:v3+s31+$0x0], $0xffff  }
0xe6: {  	v4 =	vld.idx.msk [tilespmem:v4+s31+$0x0], $0xffff  }
0xe7: {  	v5 =	vld.idx.msk [tilespmem:v5+s31+$0x0], $0xffff  }
0xe8: {  	v6 =	vld.idx.msk [tilespmem:v6+s31+$0x0], $0xffff  }
0xe9: {  	v7 =	vld.idx.msk [tilespmem:v7+s31+$0x0], $0xffff  }
0xea: {  	v14 =	vld.idx.msk [tilespmem:v14+s31+$0x0], $0xffff  }
0xeb: {  	v8 =	vld.idx.msk [tilespmem:v8+s31+$0x0], $0xffff  }
0xec: {  	v9 =	vld.idx.msk [tilespmem:v9+s31+$0x0], $0xffff  }
0xed: {  	v10 =	vld.idx.msk [tilespmem:v10+s31+$0x0], $0xffff  }
0xee: {  	v11 =	vld.idx.msk [tilespmem:v11+s31+$0x0], $0xffff  }
0xef: {  	v12 =	vld.idx.msk [tilespmem:v12+s31+$0x0], $0xffff  }
0xf0: {  	s21 =	simm.s32 $0x149F0;
	v13 =	vld.idx.msk [tilespmem:v13+s31+$0x0], $0xffff  }
0xf1: {  	[tilespmem:s21+$0x0] =	vst.add.f32.msk $0xffff, v0  }
0xf2: {  	v0 =	vld.idx.msk [tilespmem:v63+s31+$0x0], $0xffff  }
0xf3: {  	[tilespmem:s21+$0xFFFFFE90] =	vst.add.f32.msk $0xffff, v14  }
0xf4: {  	[tilespmem:s21+$0xFFFFFEA0] =	vst.add.f32.msk $0xffff, v1  }
0xf5: {  	[tilespmem:s21+$0xFFFFFEB0] =	vst.add.f32.msk $0xffff, v2  }
0xf6: {  	[tilespmem:s21+$0xFFFFFEC0] =	vst.add.f32.msk $0xffff, v3  }
0xf7: {  	[tilespmem:s21+$0xFFFFFED0] =	vst.add.f32.msk $0xffff, v4  }
0xf8: {  	[tilespmem:s21+$0xFFFFFEE0] =	vst.add.f32.msk $0xffff, v5  }
0xf9: {  	[tilespmem:s21+$0xFFFFFEF0] =	vst.add.f32.msk $0xffff, v6  }
0xfa: {  	[tilespmem:s21+$0xFFFFFF00] =	vst.add.f32.msk $0xffff, v7  }
0xfb: {  	[tilespmem:s21+$0xFFFFFF90] =	vst.add.f32.msk $0xffff, v8  }
0xfc: {  	[tilespmem:s21+$0xFFFFFFA0] =	vst.add.f32.msk $0xffff, v9  }
0xfd: {  	[tilespmem:s21+$0xFFFFFFB0] =	vst.add.f32.msk $0xffff, v10  }
0xfe: {  	[tilespmem:s21+$0xFFFFFFC0] =	vst.add.f32.msk $0xffff, v11  }
0xff: {  	[tilespmem:s21+$0xFFFFFFD0] =	vst.add.f32.msk $0xffff, v12  }
0x100: {  	[tilespmem:s21+$0xFFFFFFF0] =	vst.add.f32.msk $0xffff, v13  }
0x101: {  	s23 =	simm.s32 $0x980;
	s22 =	simm.s32 $0x0;
	[tilespmem:s21+$0xFFFFFFE0] =	vst.add.f32.msk $0xffff, v0  }
.LBB2_10:
0x102: {  	v0 =	vld [tilespmem:s23+$0x70];
	s22 =	sadd.s32 $0x10, s22  }
0x103: {  	v1 =	vld [tilespmem:s23+$0xFFFFFF90];
	p0 =	slt.u32 s22, $0x3F0  }
0x104: {  	v2 =	vld [tilespmem:s23+$0xFFFFFFA0]  }
0x105: {  	v3 =	vld [tilespmem:s23+$0xFFFFFFB0]  }
0x106: {  	v4 =	vld [tilespmem:s23+$0xFFFFFFC0]  }
0x107: {  	v5 =	vld [tilespmem:s23+$0xFFFFFFD0]  }
0x108: {  	v6 =	vld [tilespmem:s23+$0xFFFFFFE0]  }
0x109: {  	v7 =	vld [tilespmem:s23+$0xFFFFFFF0]  }
0x10a: {  	v0 =	vld.idx.msk [tilespmem:v0+s31+$0x0], $0xffff  }
0x10b: {  	v8 =	vld [tilespmem:s23+$0x0]  }
0x10c: {  	v9 =	vld [tilespmem:s23+$0x10]  }
0x10d: {  	v10 =	vld [tilespmem:s23+$0x20]  }
0x10e: {  	v11 =	vld [tilespmem:s23+$0x30]  }
0x10f: {  	s21 =	sadd.s32 $0x200, s21;
	v12 =	vld [tilespmem:s23+$0x40]  }
0x110: {  	[tilespmem:s21+$0x0] =	vst.add.f32.msk $0xffff, v0  }
0x111: {  	v0 =	vld [tilespmem:s23+$0x50]  }
0x112: {  	v13 =	vld [tilespmem:s23+$0x60]  }
0x113: {  	v14 =	vld [tilespmem:s23+$0xFFFFFF80]  }
0x114: {  	v1 =	vld.idx.msk [tilespmem:v1+s31+$0x0], $0xffff  }
0x115: {  	v2 =	vld.idx.msk [tilespmem:v2+s31+$0x0], $0xffff  }
0x116: {  	v3 =	vld.idx.msk [tilespmem:v3+s31+$0x0], $0xffff  }
0x117: {  	v4 =	vld.idx.msk [tilespmem:v4+s31+$0x0], $0xffff  }
0x118: {  	v5 =	vld.idx.msk [tilespmem:v5+s31+$0x0], $0xffff  }
0x119: {  	v6 =	vld.idx.msk [tilespmem:v6+s31+$0x0], $0xffff  }
0x11a: {  	v7 =	vld.idx.msk [tilespmem:v7+s31+$0x0], $0xffff  }
0x11b: {  	v14 =	vld.idx.msk [tilespmem:v14+s31+$0x0], $0xffff  }
0x11c: {  	v8 =	vld.idx.msk [tilespmem:v8+s31+$0x0], $0xffff  }
0x11d: {  	v9 =	vld.idx.msk [tilespmem:v9+s31+$0x0], $0xffff  }
0x11e: {  	v10 =	vld.idx.msk [tilespmem:v10+s31+$0x0], $0xffff  }
0x11f: {  	v11 =	vld.idx.msk [tilespmem:v11+s31+$0x0], $0xffff  }
0x120: {  	v12 =	vld.idx.msk [tilespmem:v12+s31+$0x0], $0xffff  }
0x121: {  	v0 =	vld.idx.msk [tilespmem:v0+s31+$0x0], $0xffff  }
0x122: {  	v13 =	vld.idx.msk [tilespmem:v13+s31+$0x0], $0xffff  }
0x123: {  	[tilespmem:s21+$0xFFFFFE90] =	vst.add.f32.msk $0xffff, v14  }
0x124: {  	[tilespmem:s21+$0xFFFFFEA0] =	vst.add.f32.msk $0xffff, v1  }
0x125: {  	[tilespmem:s21+$0xFFFFFEB0] =	vst.add.f32.msk $0xffff, v2  }
0x126: {  	[tilespmem:s21+$0xFFFFFEC0] =	vst.add.f32.msk $0xffff, v3  }
0x127: {  	[tilespmem:s21+$0xFFFFFED0] =	vst.add.f32.msk $0xffff, v4  }
0x128: {  	[tilespmem:s21+$0xFFFFFEE0] =	vst.add.f32.msk $0xffff, v5  }
0x129: {  	[tilespmem:s21+$0xFFFFFEF0] =	vst.add.f32.msk $0xffff, v6  }
0x12a: {  	[tilespmem:s21+$0xFFFFFF00] =	vst.add.f32.msk $0xffff, v7  }
0x12b: {  	[tilespmem:s21+$0xFFFFFF90] =	vst.add.f32.msk $0xffff, v8  }
0x12c: {  	[tilespmem:s21+$0xFFFFFFA0] =	vst.add.f32.msk $0xffff, v9  }
.Ltmp4:
0x12d: {  	[tilespmem:s21+$0xFFFFFFB0] =	vst.add.f32.msk $0xffff, v10;
	(pc) =	sbr.rel @p0 .LBB2_10-.Ltmp4, $4  }
0x12e: {  	[tilespmem:s21+$0xFFFFFFC0] =	vst.add.f32.msk $0xffff, v11  }
0x12f: {  	[tilespmem:s21+$0xFFFFFFD0] =	vst.add.f32.msk $0xffff, v12  }
0x130: {  	[tilespmem:s21+$0xFFFFFFE0] =	vst.add.f32.msk $0xffff, v0  }
0x131: {  	s23 =	sadd.s32 $0x100, s23;
	[tilespmem:s21+$0xFFFFFFF0] =	vst.add.f32.msk $0xffff, v13  }
0x132: {  	s21 =	simm.s32 $0x14880  }
0x133: {  	s22 =	simm.s32 $0x80;
	s24 =	sadd.s32 $0x0, s12;
	s23 =	simm.s32 $0x14980  }
.LBB2_12:
0x134: {  	[hbm4b:s24+s4] =	stream.linear.scatter [tilespmem:s21], [sflag:$0x5], $0x80, $0x38;
	[tilespmem:$0x1CC00] =	vst v63  }
0x135: {  	s24 =	smov.u32 s22;
	s21 =	smov.u32 s23;
	p0 =	sne.s32 s22, $0x3F80  }
.Ltmp5:
0x136: {  	s22 =	sadd.s32 $0x80, s22;
	(pc) =	sbr.rel @p0 .LBB2_12-.Ltmp5, $2  }
0x137: {  	_ =	sdelay $0x2  }
0x138: {  	s23 =	sadd.s32 $0x100, s23;
	s24 =	sadd.s32 s24, s12  }
0x139: {  	[hbm4b:s24+s4] =	stream.linear.scatter [tilespmem:s21], [sflag:$0x5], $0x80, $0x38;
	[tilespmem:$0x1CC00] =	vst v63  }
0x13a: {  	s20 =	sadd.s32 $0x1, s20  }
0x13b: {  	_ =	swait.ge [sflag:s19], $0x4000;
	p0 =	sne.s32 s20, s13  }
.Ltmp6:
0x13c: {  	[sflag:s19] =	ssyncset.done $0x0;
	(pc) =	sbr.rel @p0 .LBB2_1-.Ltmp6, $4  }
0x13d: {  	[sflag:s19] =	ssyncadd.s32 $0xFFFFC000  }
0x13e: {  	_ =	swait.ge [sflag:s19], $0x4000  }
0x13f: {  	[sflag:s19] =	ssyncset.done $0x0  }
0x140: {  	[sflag:s19] =	ssyncadd.s32 $0xFFFFC000  }
0x141: {  	_ =	sfence.sel $0x180000  }
0x142: {  	[bflag:$0x0] =	sbarrier.arrive $0xFFFF  }
0x143: {  	_ =	strace $0x90000047  }
0x144: {  	s0 =	stileid.u32;
	[bflag:$0x2] =	sbarrier.arrive $0xFFFF  }
0x145: {  	p0 =	sne.s32 s0, $0x0;
	s0 =	rddreg [dreg:$0x6]  }
0x146: {  	s0 =	sadd.s32 @!p0 $0x100000, s0  }
0x147: {  	[sflag:s0] =	ssyncadd.tile.s32 @!p0 $0x1;
	_ =	shalt  }
.Lfunc_end2:
_tile_overlayer_lowered:
.L_overlay_start_2:
0x148: {  	(tag) =	ssettag $0x2  }
0x149: {  	s0 =	rddreg [dreg:$0x0];
	s2 =	stileid.u32  }
0x14a: {  	s1 =	rddreg [dreg:$0x1];
	p0 =	sne.s32 s2, $0x0  }
0x14b: {  	s3 =	rddreg [dreg:$0x2];
	[bflag:$0x3] =	sbarrier.arrive $0xFFFF;
	s2 =	simm.s32 @!p0 $0x1C06  }
0x14c: {  	[timem:s3], [sflag:s2] =	dma.local @!p0 [hbm:s0], s1  }
0x14d: {  	s0 =	simm.s32 @!p0 $0x6  }
0x14e: {  	_ =	swait.ge @!p0 [sflag:s0], s1  }
0x14f: {  	s1 =	ssub.s32 @!p0 $0x0, s1;
	[sflag:s0] =	ssyncset.done @!p0 $0x0  }
0x150: {  	[sflag:s0] =	ssyncadd.s32 @!p0 s1  }
0x151: {  	[bflag:$0x3] =	sbarrier.arrive $0xFFFF  }
0x152: {  	_ =	shalt  }

</sc_bundles>
